<compile_context>
chip_gen: v7x
topology: tpu7x:2x2x1
jax: 0.10.2.dev20260603
libtpu: 0.0.44.dev20260713+nightly
codegen_flags: <defaults>
</compile_context>

<pallas_src>
import functools

import jax
import jax.numpy as jnp
from jax import lax
from jax.experimental import pallas as pl
from jax.experimental.pallas import tpu as pltpu
from jax.experimental.pallas import tpu_sc as plsc

V = 100000
E = 128
H = 256
B = 1024
T = 50
L = 3
G4 = 4 * H

NC, NS = 2, 16
NW = NC * NS
BT = B * T
B_PER_W = BT // NW
CHUNK = 400
N_CHUNK = B_PER_W // CHUNK


def _sc_gather(emb, idx_flat):
    mesh = plsc.VectorSubcoreMesh(core_axis_name="c", subcore_axis_name="s")

    @functools.partial(
        pl.kernel,
        mesh=mesh,
        out_type=jax.ShapeDtypeStruct((BT, E), jnp.float32),
        scratch_types=[
            pltpu.VMEM((CHUNK,), jnp.int32),
            pltpu.VMEM((CHUNK, E), jnp.float32),
            pltpu.SemaphoreType.DMA,
        ],
    )
    def gather_k(table_hbm, idx_hbm, out_hbm, idx_v, rows_v, sem):
        wid = lax.axis_index("s") * NC + lax.axis_index("c")
        base = wid * B_PER_W

        def body(j, carry):
            off = base + j * CHUNK
            pltpu.sync_copy(idx_hbm.at[pl.ds(off, CHUNK)], idx_v)
            pltpu.async_copy(table_hbm.at[idx_v], rows_v, sem).wait()
            pltpu.sync_copy(rows_v, out_hbm.at[pl.ds(off, CHUNK)])
            return carry

        lax.fori_loop(0, N_CHUNK, body, 0)

    return gather_k(emb, idx_flat)




def _sigmoid(z):
    return 0.5 * jnp.tanh(0.5 * z) + 0.5


def _cell(xh, c_old, w_r, b_r):
    gates = lax.dot_general(xh, w_r[...], (((1,), (1,)), ((), ())),
                            preferred_element_type=jnp.float32) + b_r[...]
    i = _sigmoid(gates[:, 0:H])
    f = _sigmoid(gates[:, H:2 * H])
    g = jnp.tanh(gates[:, 2 * H:3 * H])
    o = _sigmoid(gates[:, 3 * H:4 * H])
    c = f * c_old + i * g
    h = o * jnp.tanh(c)
    return h, c


def _fused_lstm(e, w0, b0, w1, b1, w2, b2, ln_g, ln_b, interpret=False):
    bf = jnp.bfloat16

    def body(x_ref, w0_r, b0_r, w1_r, b1_r, w2_r, b2_r, lng_r, lnb_r,
             hT, cT, nrm16,
             h0s, h1s, h2s, c0s, c1s, c2s):
        s = pl.program_id(0)

        @pl.when(s == 0)
        def _init():
            for r in (h0s, h1s, h2s):
                r[...] = jnp.zeros((B, H), bf)
            for r in (c0s, c1s, c2s):
                r[...] = jnp.zeros((B, H), jnp.float32)

        h0o = h0s[...]
        h1o = h1s[...]

        ha, ca = _cell(jnp.concatenate([x_ref[0].astype(bf), h0o], axis=1),
                       c0s[...], w0_r, b0_r)
        hb, cb = _cell(jnp.concatenate([h0o, h1o], axis=1),
                       c1s[...], w1_r, b1_r)
        hc, cc = _cell(jnp.concatenate([h1o, h2s[...]], axis=1),
                       c2s[...], w2_r, b2_r)

        h0s[...] = ha.astype(bf)
        c0s[...] = ca
        h1s[...] = hb.astype(bf)
        c1s[...] = cb
        h2s[...] = hc.astype(bf)
        c2s[...] = cc

        @pl.when(s == 0)
        def _rz0():
            for r in (h1s, h2s):
                r[...] = jnp.zeros((B, H), bf)
            for r in (c1s, c2s):
                r[...] = jnp.zeros((B, H), jnp.float32)

        @pl.when(s == 1)
        def _rz1():
            h2s[...] = jnp.zeros((B, H), bf)
            c2s[...] = jnp.zeros((B, H), jnp.float32)

        @pl.when(s == T - 1)
        def _cap0():
            hT[0] = ha
            cT[0] = ca

        @pl.when(s == T)
        def _cap1():
            hT[1] = hb
            cT[1] = cb

        @pl.when(s == T + 1)
        def _fin():
            hT[2] = hc
            cT[2] = cc
            mu = jnp.mean(hc, axis=-1, keepdims=True)
            var = jnp.mean((hc - mu) ** 2, axis=-1, keepdims=True)
            n = ((hc - mu) * lax.rsqrt(var + 1e-5)
                 * lng_r[...] + lnb_r[...])
            nrm16[...] = n.astype(bf)

    const = lambda s: (0, 0)
    return pl.pallas_call(
        body,
        grid=(T + 2,),
        in_specs=[
            pl.BlockSpec((1, B, E), lambda s: (jnp.minimum(s, T - 1), 0, 0)),
            pl.BlockSpec((G4, E + H), const),
            pl.BlockSpec((1, G4), const),
            pl.BlockSpec((G4, 2 * H), const),
            pl.BlockSpec((1, G4), const),
            pl.BlockSpec((G4, 2 * H), const),
            pl.BlockSpec((1, G4), const),
            pl.BlockSpec((1, H), const),
            pl.BlockSpec((1, H), const),
        ],
        out_specs=[
            pl.BlockSpec((L, B, H), lambda s: (0, 0, 0)),
            pl.BlockSpec((L, B, H), lambda s: (0, 0, 0)),
            pl.BlockSpec((B, H), const),
        ],
        out_shape=[
            jax.ShapeDtypeStruct((L, B, H), jnp.float32),
            jax.ShapeDtypeStruct((L, B, H), jnp.float32),
            jax.ShapeDtypeStruct((B, H), jnp.bfloat16),
        ],
        scratch_shapes=[pltpu.VMEM((B, H), bf)] * 3
        + [pltpu.VMEM((B, H), jnp.float32)] * 3,
        interpret=interpret,
    )(e, w0, b0, w1, b1, w2, b2, ln_g, ln_b)


VB = 2048
NVB = -(-V // VB)
VPAD = NVB * VB


def _head(normed, lin_W, lin_b_pad, interpret=False):

    def body(n_ref, w_ref, b_ref, out_ref):
        acc = lax.dot_general(w_ref[...].astype(jnp.bfloat16),
                              n_ref[...],
                              (((1,), (1,)), ((), ())),
                              preferred_element_type=jnp.float32)
        out_ref[...] = acc + jnp.transpose(b_ref[0])

    return pl.pallas_call(
        body,
        grid=(NVB,),
        in_specs=[
            pl.BlockSpec((B, H), lambda i: (0, 0)),
            pl.BlockSpec((VB, H), lambda i: (i, 0)),
            pl.BlockSpec((1, 1, VB), lambda i: (i, 0, 0)),
        ],
        out_specs=pl.BlockSpec((VB, B), lambda i: (i, 0)),
        out_shape=jax.ShapeDtypeStruct((V, B), jnp.float32),
        interpret=interpret,
    )(normed, lin_W, lin_b_pad)


def kernel(x, emb, W_ih0, W_hh0, b_ih0, b_hh0, W_ih1, W_hh1, b_ih1, b_hh1,
           W_ih2, W_hh2, b_ih2, b_hh2, ln_g, ln_b, lin_W, lin_b):
    idx_flat = x.T.reshape(BT)
    e = _sc_gather(emb, idx_flat).reshape(T, B, E)

    bf = jnp.bfloat16
    w0 = jnp.concatenate([W_ih0, W_hh0], axis=1).astype(bf)
    w1 = jnp.concatenate([W_ih1, W_hh1], axis=1).astype(bf)
    w2 = jnp.concatenate([W_ih2, W_hh2], axis=1).astype(bf)
    hT, cT, normed16 = _fused_lstm(
        e,
        w0, (b_ih0 + b_hh0).reshape(1, G4),
        w1, (b_ih1 + b_hh1).reshape(1, G4),
        w2, (b_ih2 + b_hh2).reshape(1, G4),
        ln_g.reshape(1, H), ln_b.reshape(1, H))

    lin_b_pad = jnp.zeros((VPAD,), jnp.float32).at[:V].set(lin_b)
    logits = _head(normed16, lin_W, lin_b_pad.reshape(NVB, 1, VB)).T

    return logits, (hT, cT)

# --- scband reference (transcript-rebuilt; emitter-appended) ---
"""Pipeline reference for scband-model-25202868093608 (READ-ONLY COPY).

The authoritative reference and input builder live on the scoring server;
editing this copy changes nothing except your own understanding.
"""

import jax, jax.numpy as jnp
import numpy as np

V = 100000
E = 128
H = 256
L = 3
B = 1024
T = 50


def setup_inputs(seed: int = 0):
    key = jax.random.key(seed)
    ks = jax.random.split(key, 20)
    inp = {}
    inp["x"] = jax.random.randint(ks[0], (B, T), 0, V, dtype=jnp.int32)
    inp["emb"] = jax.random.normal(ks[1], (V, E), dtype=jnp.float32) * 0.02
    s = 1.0 / np.sqrt(H)
    in_sizes = [E, H, H]
    for l in range(L):
        inp[f"W_ih{l}"] = jax.random.uniform(ks[2 + 4 * l], (4 * H, in_sizes[l]), minval=-s, maxval=s, dtype=jnp.float32)
        inp[f"W_hh{l}"] = jax.random.uniform(ks[3 + 4 * l], (4 * H, H), minval=-s, maxval=s, dtype=jnp.float32)
        inp[f"b_ih{l}"] = jax.random.uniform(ks[4 + 4 * l], (4 * H,), minval=-s, maxval=s, dtype=jnp.float32)
        inp[f"b_hh{l}"] = jax.random.uniform(ks[5 + 4 * l], (4 * H,), minval=-s, maxval=s, dtype=jnp.float32)
    inp["ln_g"] = jnp.ones((H,), dtype=jnp.float32)
    inp["ln_b"] = jnp.zeros((H,), dtype=jnp.float32)
    inp["lin_W"] = jax.random.uniform(ks[14], (V, H), minval=-s, maxval=s, dtype=jnp.float32)
    inp["lin_b"] = jax.random.uniform(ks[15], (V,), minval=-s, maxval=s, dtype=jnp.float32)
    return inp


def _lstm_layer(xs, Wih, Whh, bih, bhh):
    # xs: [T, B, D]; PyTorch gate order: i, f, g, o
    Bc = xs.shape[1]
    Hc = Whh.shape[1]
    h0 = jnp.zeros((Bc, Hc), dtype=xs.dtype)
    c0 = jnp.zeros((Bc, Hc), dtype=xs.dtype)

    def step(carry, x_t):
        h, c = carry
        gates = x_t @ Wih.T + h @ Whh.T + bih + bhh
        i, f, g, o = jnp.split(gates, 4, axis=-1)
        i = jax.nn.sigmoid(i)
        f = jax.nn.sigmoid(f)
        g = jnp.tanh(g)
        o = jax.nn.sigmoid(o)
        c = f * c + i * g
        h = o * jnp.tanh(c)
        return (h, c), h

    (hT, cT), ys = jax.lax.scan(step, (h0, c0), xs)
    return ys, hT, cT


def reference(x, emb, W_ih0, W_hh0, b_ih0, b_hh0, W_ih1, W_hh1, b_ih1, b_hh1, W_ih2, W_hh2, b_ih2, b_hh2, ln_g, ln_b, lin_W, lin_b):
    e = jnp.take(emb, x, axis=0)          # [B, T, E] embedding lookup
    xs = jnp.transpose(e, (1, 0, 2))      # time-major [T, B, E]
    hs = []
    cs = []
    for (Wih, Whh, bih, bhh) in [
        (W_ih0, W_hh0, b_ih0, b_hh0),
        (W_ih1, W_hh1, b_ih1, b_hh1),
        (W_ih2, W_hh2, b_ih2, b_hh2),
    ]:
        xs, hT, cT = _lstm_layer(xs, Wih, Whh, bih, bhh)
        hs.append(hT)
        cs.append(cT)
    out = xs[-1]                          # last timestep [B, H]
    mu = jnp.mean(out, axis=-1, keepdims=True)
    var = jnp.mean((out - mu) ** 2, axis=-1, keepdims=True)
    normed = (out - mu) / jnp.sqrt(var + 1e-5) * ln_g + ln_b
    # dropout = 0.0 / eval mode -> identity
    logits = normed @ lin_W.T + lin_b     # [B, V]
    hidden = (jnp.stack(hs), jnp.stack(cs))  # ([L, B, H], [L, B, H])
    return logits, hidden

if __name__ == "__main__":
    import jax
    _d = setup_inputs()
    print(jax.jit(kernel)(*tuple(_d.values())))

</pallas_src>

<mosaic_0001>
#map = affine_map<(d0, d1) -> (0, 0)>
#map1 = affine_map<(d0, d1) -> (0)>
module attributes {stable_mosaic.version = 14 : i64} {
  func.func @gather_k(%arg0: i32, %arg1: i32, %arg2: memref<100000x128xf32, #tpu.memory_space<hbm>>, %arg3: memref<51200xi32, #tpu.memory_space<hbm>>, %arg4: memref<51200x128xf32, #tpu.memory_space<hbm>>, %arg5: memref<400xi32, #tpu.memory_space<vmem>>, %arg6: memref<400x128xf32, #tpu.memory_space<vmem>>, %arg7: memref<!tpu.dma_semaphore, #tpu.memory_space<semaphore_mem>>) attributes {dimension_semantics = [#tpu.dimension_semantics<core_parallel>, #tpu.dimension_semantics<subcore_parallel>], iteration_bounds = array<i64: 2, 16>, scalar_prefetch = 0 : i64, scratch_operands = 3 : i64, tpu.core_type = #tpu.core_type<sc_vector_subcore>, window_params = [{transform_indices = #map}, {transform_indices = #map1}, {transform_indices = #map}]} {
    %mul3A = arith.constant 2 : i32
    %mul3A_0 = arith.muli %arg1, %mul3A : i32
    %add3A = arith.addi %mul3A_0, %arg0 : i32
    %mul3A_1 = arith.constant 1600 : i32
    %mul3A_2 = arith.muli %add3A, %mul3A_1 : i32
    %scan3A = arith.constant 0 : i32
    %scan3A_3 = arith.constant 0 : i32
    %scan3A_4 = arith.constant 4 : i32
    %scan3A_5 = arith.addi %scan3A_3, %scan3A_4 : i32
    %scan3A_6 = arith.constant 1 : i32
    scf.for %scan3A_8 = %scan3A_3 to %scan3A_5 step %scan3A_6  : i32 {
      %mul3A_9 = arith.constant 400 : i32
      %mul3A_10 = arith.muli %scan3A_8, %mul3A_9 : i32
      %add3A_11 = arith.addi %mul3A_2, %mul3A_10 : i32
      "tpu.region"() ({
        %run_scoped3A = tpu.sem_alloc : memref<!tpu.dma_semaphore, #tpu.memory_space<semaphore_mem>>
        %dma_start3A_16 = tpu.memref_slice %arg3[%add3A_11] : memref<51200xi32, #tpu.memory_space<hbm>> -> memref<400xi32, #tpu.memory_space<hbm>>
        %dma_start3A_17 = tpu.memref_slice %arg3[%add3A_11] : memref<51200xi32, #tpu.memory_space<hbm>> -> memref<400xi32, #tpu.memory_space<hbm>>
        tpu.enqueue_dma source(%dma_start3A_17 : memref<400xi32, #tpu.memory_space<hbm>>) target(%arg5 : memref<400xi32, #tpu.memory_space<vmem>>) target_semaphore(%run_scoped3A : memref<!tpu.dma_semaphore, #tpu.memory_space<semaphore_mem>>)
        %dma_wait3A_18 = tpu.memref_slice %arg3[%add3A_11] : memref<51200xi32, #tpu.memory_space<hbm>> -> memref<400xi32, #tpu.memory_space<hbm>>
        %dma_wait3A_19 = tpu.memref_slice %arg3[%add3A_11] : memref<51200xi32, #tpu.memory_space<hbm>> -> memref<400xi32, #tpu.memory_space<hbm>>
        tpu.wait_dma2 semaphore(%run_scoped3A : memref<!tpu.dma_semaphore, #tpu.memory_space<semaphore_mem>>) src(%dma_wait3A_19 : memref<400xi32, #tpu.memory_space<hbm>>) dst(%arg5 : memref<400xi32, #tpu.memory_space<vmem>>)
        tpu.yield
      }) : () -> ()
      %dma_start3A = arith.constant 0 : i32
      %dma_start3A_12 = arith.constant 0 : i32
      %dma_start3A_13 = tpu.memref_slice %arg2[%dma_start3A, %dma_start3A_12] : memref<100000x128xf32, #tpu.memory_space<hbm>> -> memref<100000x128xf32, #tpu.memory_space<hbm>>
      tpu.enqueue_indirect_dma source(%dma_start3A_13 : memref<100000x128xf32, #tpu.memory_space<hbm>>) target(%arg6 : memref<400x128xf32, #tpu.memory_space<vmem>>) offsets(%arg5 : memref<400xi32, #tpu.memory_space<vmem>>) semaphore(%arg7 : memref<!tpu.dma_semaphore, #tpu.memory_space<semaphore_mem>>)
      %dma_wait3A = arith.constant 0 : i32
      %dma_wait3A_14 = arith.constant 0 : i32
      %dma_wait3A_15 = tpu.memref_slice %arg2[%dma_wait3A, %dma_wait3A_14] : memref<100000x128xf32, #tpu.memory_space<hbm>> -> memref<100000x128xf32, #tpu.memory_space<hbm>>
      tpu.wait_indirect_dma semaphore(%arg7 : memref<!tpu.dma_semaphore, #tpu.memory_space<semaphore_mem>>) src(%dma_wait3A_15 : memref<100000x128xf32, #tpu.memory_space<hbm>>) dst(%arg6 : memref<400x128xf32, #tpu.memory_space<vmem>>)
      "tpu.region"() ({
        %run_scoped3A = tpu.sem_alloc : memref<!tpu.dma_semaphore, #tpu.memory_space<semaphore_mem>>
        %dma_start3A_16 = arith.constant 0 : i32
        %dma_start3A_17 = tpu.memref_slice %arg4[%add3A_11, %dma_start3A_16] : memref<51200x128xf32, #tpu.memory_space<hbm>> -> memref<400x128xf32, #tpu.memory_space<hbm>>
        %dma_start3A_18 = arith.constant 0 : i32
        %dma_start3A_19 = tpu.memref_slice %arg4[%add3A_11, %dma_start3A_18] : memref<51200x128xf32, #tpu.memory_space<hbm>> -> memref<400x128xf32, #tpu.memory_space<hbm>>
        tpu.enqueue_dma source(%arg6 : memref<400x128xf32, #tpu.memory_space<vmem>>) target(%dma_start3A_19 : memref<400x128xf32, #tpu.memory_space<hbm>>) target_semaphore(%run_scoped3A : memref<!tpu.dma_semaphore, #tpu.memory_space<semaphore_mem>>)
        %dma_wait3A_20 = arith.constant 0 : i32
        %dma_wait3A_21 = tpu.memref_slice %arg4[%add3A_11, %dma_wait3A_20] : memref<51200x128xf32, #tpu.memory_space<hbm>> -> memref<400x128xf32, #tpu.memory_space<hbm>>
        %dma_wait3A_22 = arith.constant 0 : i32
        %dma_wait3A_23 = tpu.memref_slice %arg4[%add3A_11, %dma_wait3A_22] : memref<51200x128xf32, #tpu.memory_space<hbm>> -> memref<400x128xf32, #tpu.memory_space<hbm>>
        tpu.wait_dma2 semaphore(%run_scoped3A : memref<!tpu.dma_semaphore, #tpu.memory_space<semaphore_mem>>) src(%arg6 : memref<400x128xf32, #tpu.memory_space<vmem>>) dst(%dma_wait3A_23 : memref<400x128xf32, #tpu.memory_space<hbm>>)
        tpu.yield
      }) : () -> ()
    }
    %scan3A_7 = arith.constant 4 : i32
    return
  }
}

module attributes {stable_mosaic.version = 14 : i64} {
  func.func @body(%arg0: i32, %arg1: memref<1x1024x128xf32, #tpu.memory_space<vmem>>, %arg2: memref<1024x384xbf16, #tpu.memory_space<vmem>>, %arg3: memref<1x1024xf32, #tpu.memory_space<vmem>>, %arg4: memref<1024x512xbf16, #tpu.memory_space<vmem>>, %arg5: memref<1x1024xf32, #tpu.memory_space<vmem>>, %arg6: memref<1024x512xbf16, #tpu.memory_space<vmem>>, %arg7: memref<1x1024xf32, #tpu.memory_space<vmem>>, %arg8: memref<1x256xf32, #tpu.memory_space<vmem>>, %arg9: memref<1x256xf32, #tpu.memory_space<vmem>>, %arg10: memref<3x1024x256xf32, #tpu.memory_space<vmem>>, %arg11: memref<3x1024x256xf32, #tpu.memory_space<vmem>>, %arg12: memref<1024x256xbf16, #tpu.memory_space<vmem>>, %arg13: memref<1024x256xbf16, #tpu.memory_space<vmem>>, %arg14: memref<1024x256xbf16, #tpu.memory_space<vmem>>, %arg15: memref<1024x256xbf16, #tpu.memory_space<vmem>>, %arg16: memref<1024x256xf32, #tpu.memory_space<vmem>>, %arg17: memref<1024x256xf32, #tpu.memory_space<vmem>>, %arg18: memref<1024x256xf32, #tpu.memory_space<vmem>>) attributes {dimension_semantics = [#tpu.dimension_semantics<arbitrary>], iteration_bounds = array<i64: 52>, scalar_prefetch = 0 : i64, scratch_operands = 6 : i64, tpu.core_type = #tpu.core_type<tc>, window_params = [{transform_indices = @transform_0, window_bounds = array<i64: 1, 1024, 128>}, {pipeline_mode = #tpu.pipeline_mode<synchronous>, transform_indices = @transform_1, window_bounds = array<i64: 1024, 384>}, {pipeline_mode = #tpu.pipeline_mode<synchronous>, transform_indices = @transform_2, window_bounds = array<i64: 1, 1024>}, {pipeline_mode = #tpu.pipeline_mode<synchronous>, transform_indices = @transform_3, window_bounds = array<i64: 1024, 512>}, {pipeline_mode = #tpu.pipeline_mode<synchronous>, transform_indices = @transform_4, window_bounds = array<i64: 1, 1024>}, {pipeline_mode = #tpu.pipeline_mode<synchronous>, transform_indices = @transform_5, window_bounds = array<i64: 1024, 512>}, {pipeline_mode = #tpu.pipeline_mode<synchronous>, transform_indices = @transform_6, window_bounds = array<i64: 1, 1024>}, {pipeline_mode = #tpu.pipeline_mode<synchronous>, transform_indices = @transform_7, window_bounds = array<i64: 1, 256>}, {pipeline_mode = #tpu.pipeline_mode<synchronous>, transform_indices = @transform_8, window_bounds = array<i64: 1, 256>}, {pipeline_mode = #tpu.pipeline_mode<synchronous>, transform_indices = @transform_9, window_bounds = array<i64: 3, 1024, 256>}, {pipeline_mode = #tpu.pipeline_mode<synchronous>, transform_indices = @transform_10, window_bounds = array<i64: 3, 1024, 256>}, {pipeline_mode = #tpu.pipeline_mode<synchronous>, transform_indices = @transform_11, window_bounds = array<i64: 1024, 256>}]} {
    %eq3A = arith.constant 0 : i32
    %eq3A_0 = arith.cmpi eq, %arg0, %eq3A : i32
    %convert_element_type3A = arith.extui %eq3A_0 : i1 to i32
    %cond3A = arith.constant 0 : i32
    %cond3A_1 = arith.cmpi ne, %convert_element_type3A, %cond3A : i32
    scf.if %cond3A_1 {
      %broadcast_in_dim3A = arith.constant 0.000000e+00 : bf16
      %broadcast_in_dim3A_217 = vector.broadcast %broadcast_in_dim3A : bf16 to vector<1024x256xbf16>
      %swap3A_218 = arith.constant 0 : index
      %swap3A_219 = arith.constant 0 : index
      %swap3A_220 = vector.load %arg13[%swap3A_218, %swap3A_219] : memref<1024x256xbf16, #tpu.memory_space<vmem>>, vector<1024x256xbf16>
      tpu.vector_store %arg13[%swap3A_218, %swap3A_219], %broadcast_in_dim3A_217 {strides = array<i32>} : memref<1024x256xbf16, #tpu.memory_space<vmem>>, vector<1024x256xbf16>,
      %broadcast_in_dim3A_221 = arith.constant 0.000000e+00 : bf16
      %broadcast_in_dim3A_222 = vector.broadcast %broadcast_in_dim3A_221 : bf16 to vector<1024x256xbf16>
      %swap3A_223 = arith.constant 0 : index
      %swap3A_224 = arith.constant 0 : index
      %swap3A_225 = vector.load %arg14[%swap3A_223, %swap3A_224] : memref<1024x256xbf16, #tpu.memory_space<vmem>>, vector<1024x256xbf16>
      tpu.vector_store %arg14[%swap3A_223, %swap3A_224], %broadcast_in_dim3A_222 {strides = array<i32>} : memref<1024x256xbf16, #tpu.memory_space<vmem>>, vector<1024x256xbf16>,
      %broadcast_in_dim3A_226 = arith.constant 0.000000e+00 : bf16
      %broadcast_in_dim3A_227 = vector.broadcast %broadcast_in_dim3A_226 : bf16 to vector<1024x256xbf16>
      %swap3A_228 = arith.constant 0 : index
      %swap3A_229 = arith.constant 0 : index
      %swap3A_230 = vector.load %arg15[%swap3A_228, %swap3A_229] : memref<1024x256xbf16, #tpu.memory_space<vmem>>, vector<1024x256xbf16>
      tpu.vector_store %arg15[%swap3A_228, %swap3A_229], %broadcast_in_dim3A_227 {strides = array<i32>} : memref<1024x256xbf16, #tpu.memory_space<vmem>>, vector<1024x256xbf16>,
      %broadcast_in_dim3A_231 = arith.constant 0.000000e+00 : f32
      %broadcast_in_dim3A_232 = vector.broadcast %broadcast_in_dim3A_231 : f32 to vector<1024x256xf32>
      %swap3A_233 = arith.constant 0 : index
      %swap3A_234 = arith.constant 0 : index
      %swap3A_235 = vector.load %arg16[%swap3A_233, %swap3A_234] : memref<1024x256xf32, #tpu.memory_space<vmem>>, vector<1024x256xf32>
      tpu.vector_store %arg16[%swap3A_233, %swap3A_234], %broadcast_in_dim3A_232 {strides = array<i32>} : memref<1024x256xf32, #tpu.memory_space<vmem>>, vector<1024x256xf32>,
      %broadcast_in_dim3A_236 = arith.constant 0.000000e+00 : f32
      %broadcast_in_dim3A_237 = vector.broadcast %broadcast_in_dim3A_236 : f32 to vector<1024x256xf32>
      %swap3A_238 = arith.constant 0 : index
      %swap3A_239 = arith.constant 0 : index
      %swap3A_240 = vector.load %arg17[%swap3A_238, %swap3A_239] : memref<1024x256xf32, #tpu.memory_space<vmem>>, vector<1024x256xf32>
      tpu.vector_store %arg17[%swap3A_238, %swap3A_239], %broadcast_in_dim3A_237 {strides = array<i32>} : memref<1024x256xf32, #tpu.memory_space<vmem>>, vector<1024x256xf32>,
      %broadcast_in_dim3A_241 = arith.constant 0.000000e+00 : f32
      %broadcast_in_dim3A_242 = vector.broadcast %broadcast_in_dim3A_241 : f32 to vector<1024x256xf32>
      %swap3A_243 = arith.constant 0 : index
      %swap3A_244 = arith.constant 0 : index
      %swap3A_245 = vector.load %arg18[%swap3A_243, %swap3A_244] : memref<1024x256xf32, #tpu.memory_space<vmem>>, vector<1024x256xf32>
      tpu.vector_store %arg18[%swap3A_243, %swap3A_244], %broadcast_in_dim3A_242 {strides = array<i32>} : memref<1024x256xf32, #tpu.memory_space<vmem>>, vector<1024x256xf32>,
    } else {
    }
    %get3A = arith.constant 0 : index
    %get3A_2 = arith.constant 0 : index
    %get3A_3 = vector.load %arg13[%get3A, %get3A_2] : memref<1024x256xbf16, #tpu.memory_space<vmem>>, vector<1024x256xbf16>
    %get3A_4 = arith.constant 0 : index
    %get3A_5 = arith.constant 0 : index
    %get3A_6 = vector.load %arg14[%get3A_4, %get3A_5] : memref<1024x256xbf16, #tpu.memory_space<vmem>>, vector<1024x256xbf16>
    %get3A_7 = arith.constant 0 : index
    %get3A_8 = arith.constant 0 : index
    %get3A_9 = arith.constant 0 : index
    %get3A_10 = vector.load %arg1[%get3A_7, %get3A_8, %get3A_9] : memref<1x1024x128xf32, #tpu.memory_space<vmem>>, vector<1x1024x128xf32>
    %get3A_11 = vector.shape_cast %get3A_10 : vector<1x1024x128xf32> to vector<1024x128xf32>
    %convert_element_type3A_12 = arith.truncf %get3A_11 : vector<1024x128xf32> to vector<1024x128xbf16>
    %concatenate3A = tpu.concatenate %convert_element_type3A_12, %get3A_3 in 1 : vector<1024x128xbf16>, vector<1024x256xbf16> -> vector<1024x384xbf16>
    %get3A_13 = arith.constant 0 : index
    %get3A_14 = arith.constant 0 : index
    %get3A_15 = vector.load %arg16[%get3A_13, %get3A_14] : memref<1024x256xf32, #tpu.memory_space<vmem>>, vector<1024x256xf32>
    %get3A_16 = arith.constant 0 : index
    %get3A_17 = arith.constant 0 : index
    %get3A_18 = vector.load %arg2[%get3A_16, %get3A_17] : memref<1024x384xbf16, #tpu.memory_space<vmem>>, vector<1024x384xbf16>
    %dot_general3A = arith.constant dense<0.000000e+00> : vector<1024x1024xf32>
    %dot_general3A_19 = tpu.matmul %concatenate3A, %get3A_18, %dot_general3A {dimension_numbers = #tpu.dot_dimension_numbers<[1], [1], [0], [0], [0, 0, 1, 0], [], []>, transpose_lhs_hint = false} : vector<1024x384xbf16>, vector<1024x384xbf16>, vector<1024x1024xf32> -> vector<1024x1024xf32>
    %get3A_20 = arith.constant 0 : index
    %get3A_21 = arith.constant 0 : index
    %get3A_22 = vector.load %arg3[%get3A_20, %get3A_21] : memref<1x1024xf32, #tpu.memory_space<vmem>>, vector<1x1024xf32>
    %add3A = vector.broadcast %get3A_22 : vector<1x1024xf32> to vector<1024x1024xf32>
    %add3A_23 = arith.addf %dot_general3A_19, %add3A : vector<1024x1024xf32>
    %slice3A = vector.extract_strided_slice %add3A_23 {offsets = [0, 0], sizes = [1024, 256], strides = [1, 1]} : vector<1024x1024xf32> to vector<1024x256xf32>
    %mul3A = arith.constant 5.000000e-01 : f32
    %mul3A_24 = vector.broadcast %mul3A : f32 to vector<1024x256xf32>
    %mul3A_25 = arith.mulf %mul3A_24, %slice3A : vector<1024x256xf32>
    %tanh3A = math.tanh %mul3A_25 : vector<1024x256xf32>
    %mul3A_26 = arith.constant 5.000000e-01 : f32
    %mul3A_27 = vector.broadcast %mul3A_26 : f32 to vector<1024x256xf32>
    %mul3A_28 = arith.mulf %mul3A_27, %tanh3A : vector<1024x256xf32>
    %add3A_29 = arith.constant 5.000000e-01 : f32
    %add3A_30 = vector.broadcast %add3A_29 : f32 to vector<1024x256xf32>
    %add3A_31 = arith.addf %mul3A_28, %add3A_30 : vector<1024x256xf32>
    %slice3A_32 = vector.extract_strided_slice %add3A_23 {offsets = [0, 256], sizes = [1024, 256], strides = [1, 1]} : vector<1024x1024xf32> to vector<1024x256xf32>
    %mul3A_33 = arith.constant 5.000000e-01 : f32
    %mul3A_34 = vector.broadcast %mul3A_33 : f32 to vector<1024x256xf32>
    %mul3A_35 = arith.mulf %mul3A_34, %slice3A_32 : vector<1024x256xf32>
    %tanh3A_36 = math.tanh %mul3A_35 : vector<1024x256xf32>
    %mul3A_37 = arith.constant 5.000000e-01 : f32
    %mul3A_38 = vector.broadcast %mul3A_37 : f32 to vector<1024x256xf32>
    %mul3A_39 = arith.mulf %mul3A_38, %tanh3A_36 : vector<1024x256xf32>
    %add3A_40 = arith.constant 5.000000e-01 : f32
    %add3A_41 = vector.broadcast %add3A_40 : f32 to vector<1024x256xf32>
    %add3A_42 = arith.addf %mul3A_39, %add3A_41 : vector<1024x256xf32>
    %slice3A_43 = vector.extract_strided_slice %add3A_23 {offsets = [0, 512], sizes = [1024, 256], strides = [1, 1]} : vector<1024x1024xf32> to vector<1024x256xf32>
    %tanh3A_44 = math.tanh %slice3A_43 : vector<1024x256xf32>
    %slice3A_45 = vector.extract_strided_slice %add3A_23 {offsets = [0, 768], sizes = [1024, 256], strides = [1, 1]} : vector<1024x1024xf32> to vector<1024x256xf32>
    %mul3A_46 = arith.constant 5.000000e-01 : f32
    %mul3A_47 = vector.broadcast %mul3A_46 : f32 to vector<1024x256xf32>
    %mul3A_48 = arith.mulf %mul3A_47, %slice3A_45 : vector<1024x256xf32>
    %tanh3A_49 = math.tanh %mul3A_48 : vector<1024x256xf32>
    %mul3A_50 = arith.constant 5.000000e-01 : f32
    %mul3A_51 = vector.broadcast %mul3A_50 : f32 to vector<1024x256xf32>
    %mul3A_52 = arith.mulf %mul3A_51, %tanh3A_49 : vector<1024x256xf32>
    %add3A_53 = arith.constant 5.000000e-01 : f32
    %add3A_54 = vector.broadcast %add3A_53 : f32 to vector<1024x256xf32>
    %add3A_55 = arith.addf %mul3A_52, %add3A_54 : vector<1024x256xf32>
    %mul3A_56 = arith.mulf %add3A_42, %get3A_15 : vector<1024x256xf32>
    %mul3A_57 = arith.mulf %add3A_31, %tanh3A_44 : vector<1024x256xf32>
    %add3A_58 = arith.addf %mul3A_56, %mul3A_57 : vector<1024x256xf32>
    %tanh3A_59 = math.tanh %add3A_58 : vector<1024x256xf32>
    %mul3A_60 = arith.mulf %add3A_55, %tanh3A_59 : vector<1024x256xf32>
    %concatenate3A_61 = tpu.concatenate %get3A_3, %get3A_6 in 1 : vector<1024x256xbf16>, vector<1024x256xbf16> -> vector<1024x512xbf16>
    %get3A_62 = arith.constant 0 : index
    %get3A_63 = arith.constant 0 : index
    %get3A_64 = vector.load %arg17[%get3A_62, %get3A_63] : memref<1024x256xf32, #tpu.memory_space<vmem>>, vector<1024x256xf32>
    %get3A_65 = arith.constant 0 : index
    %get3A_66 = arith.constant 0 : index
    %get3A_67 = vector.load %arg4[%get3A_65, %get3A_66] : memref<1024x512xbf16, #tpu.memory_space<vmem>>, vector<1024x512xbf16>
    %dot_general3A_68 = arith.constant dense<0.000000e+00> : vector<1024x1024xf32>
    %dot_general3A_69 = tpu.matmul %concatenate3A_61, %get3A_67, %dot_general3A_68 {dimension_numbers = #tpu.dot_dimension_numbers<[1], [1], [0], [0], [0, 0, 1, 0], [], []>, transpose_lhs_hint = false} : vector<1024x512xbf16>, vector<1024x512xbf16>, vector<1024x1024xf32> -> vector<1024x1024xf32>
    %get3A_70 = arith.constant 0 : index
    %get3A_71 = arith.constant 0 : index
    %get3A_72 = vector.load %arg5[%get3A_70, %get3A_71] : memref<1x1024xf32, #tpu.memory_space<vmem>>, vector<1x1024xf32>
    %add3A_73 = vector.broadcast %get3A_72 : vector<1x1024xf32> to vector<1024x1024xf32>
    %add3A_74 = arith.addf %dot_general3A_69, %add3A_73 : vector<1024x1024xf32>
    %slice3A_75 = vector.extract_strided_slice %add3A_74 {offsets = [0, 0], sizes = [1024, 256], strides = [1, 1]} : vector<1024x1024xf32> to vector<1024x256xf32>
    %mul3A_76 = arith.constant 5.000000e-01 : f32
    %mul3A_77 = vector.broadcast %mul3A_76 : f32 to vector<1024x256xf32>
    %mul3A_78 = arith.mulf %mul3A_77, %slice3A_75 : vector<1024x256xf32>
    %tanh3A_79 = math.tanh %mul3A_78 : vector<1024x256xf32>
    %mul3A_80 = arith.constant 5.000000e-01 : f32
    %mul3A_81 = vector.broadcast %mul3A_80 : f32 to vector<1024x256xf32>
    %mul3A_82 = arith.mulf %mul3A_81, %tanh3A_79 : vector<1024x256xf32>
    %add3A_83 = arith.constant 5.000000e-01 : f32
    %add3A_84 = vector.broadcast %add3A_83 : f32 to vector<1024x256xf32>
    %add3A_85 = arith.addf %mul3A_82, %add3A_84 : vector<1024x256xf32>
    %slice3A_86 = vector.extract_strided_slice %add3A_74 {offsets = [0, 256], sizes = [1024, 256], strides = [1, 1]} : vector<1024x1024xf32> to vector<1024x256xf32>
    %mul3A_87 = arith.constant 5.000000e-01 : f32
    %mul3A_88 = vector.broadcast %mul3A_87 : f32 to vector<1024x256xf32>
    %mul3A_89 = arith.mulf %mul3A_88, %slice3A_86 : vector<1024x256xf32>
    %tanh3A_90 = math.tanh %mul3A_89 : vector<1024x256xf32>
    %mul3A_91 = arith.constant 5.000000e-01 : f32
    %mul3A_92 = vector.broadcast %mul3A_91 : f32 to vector<1024x256xf32>
    %mul3A_93 = arith.mulf %mul3A_92, %tanh3A_90 : vector<1024x256xf32>
    %add3A_94 = arith.constant 5.000000e-01 : f32
    %add3A_95 = vector.broadcast %add3A_94 : f32 to vector<1024x256xf32>
    %add3A_96 = arith.addf %mul3A_93, %add3A_95 : vector<1024x256xf32>
    %slice3A_97 = vector.extract_strided_slice %add3A_74 {offsets = [0, 512], sizes = [1024, 256], strides = [1, 1]} : vector<1024x1024xf32> to vector<1024x256xf32>
    %tanh3A_98 = math.tanh %slice3A_97 : vector<1024x256xf32>
    %slice3A_99 = vector.extract_strided_slice %add3A_74 {offsets = [0, 768], sizes = [1024, 256], strides = [1, 1]} : vector<1024x1024xf32> to vector<1024x256xf32>
    %mul3A_100 = arith.constant 5.000000e-01 : f32
    %mul3A_101 = vector.broadcast %mul3A_100 : f32 to vector<1024x256xf32>
    %mul3A_102 = arith.mulf %mul3A_101, %slice3A_99 : vector<1024x256xf32>
    %tanh3A_103 = math.tanh %mul3A_102 : vector<1024x256xf32>
    %mul3A_104 = arith.constant 5.000000e-01 : f32
    %mul3A_105 = vector.broadcast %mul3A_104 : f32 to vector<1024x256xf32>
    %mul3A_106 = arith.mulf %mul3A_105, %tanh3A_103 : vector<1024x256xf32>
    %add3A_107 = arith.constant 5.000000e-01 : f32
    %add3A_108 = vector.broadcast %add3A_107 : f32 to vector<1024x256xf32>
    %add3A_109 = arith.addf %mul3A_106, %add3A_108 : vector<1024x256xf32>
    %mul3A_110 = arith.mulf %add3A_96, %get3A_64 : vector<1024x256xf32>
    %mul3A_111 = arith.mulf %add3A_85, %tanh3A_98 : vector<1024x256xf32>
    %add3A_112 = arith.addf %mul3A_110, %mul3A_111 : vector<1024x256xf32>
    %tanh3A_113 = math.tanh %add3A_112 : vector<1024x256xf32>
    %mul3A_114 = arith.mulf %add3A_109, %tanh3A_113 : vector<1024x256xf32>
    %get3A_115 = arith.constant 0 : index
    %get3A_116 = arith.constant 0 : index
    %get3A_117 = vector.load %arg15[%get3A_115, %get3A_116] : memref<1024x256xbf16, #tpu.memory_space<vmem>>, vector<1024x256xbf16>
    %concatenate3A_118 = tpu.concatenate %get3A_6, %get3A_117 in 1 : vector<1024x256xbf16>, vector<1024x256xbf16> -> vector<1024x512xbf16>
    %get3A_119 = arith.constant 0 : index
    %get3A_120 = arith.constant 0 : index
    %get3A_121 = vector.load %arg18[%get3A_119, %get3A_120] : memref<1024x256xf32, #tpu.memory_space<vmem>>, vector<1024x256xf32>
    %get3A_122 = arith.constant 0 : index
    %get3A_123 = arith.constant 0 : index
    %get3A_124 = vector.load %arg6[%get3A_122, %get3A_123] : memref<1024x512xbf16, #tpu.memory_space<vmem>>, vector<1024x512xbf16>
    %dot_general3A_125 = arith.constant dense<0.000000e+00> : vector<1024x1024xf32>
    %dot_general3A_126 = tpu.matmul %concatenate3A_118, %get3A_124, %dot_general3A_125 {dimension_numbers = #tpu.dot_dimension_numbers<[1], [1], [0], [0], [0, 0, 1, 0], [], []>, transpose_lhs_hint = false} : vector<1024x512xbf16>, vector<1024x512xbf16>, vector<1024x1024xf32> -> vector<1024x1024xf32>
    %get3A_127 = arith.constant 0 : index
    %get3A_128 = arith.constant 0 : index
    %get3A_129 = vector.load %arg7[%get3A_127, %get3A_128] : memref<1x1024xf32, #tpu.memory_space<vmem>>, vector<1x1024xf32>
    %add3A_130 = vector.broadcast %get3A_129 : vector<1x1024xf32> to vector<1024x1024xf32>
    %add3A_131 = arith.addf %dot_general3A_126, %add3A_130 : vector<1024x1024xf32>
    %slice3A_132 = vector.extract_strided_slice %add3A_131 {offsets = [0, 0], sizes = [1024, 256], strides = [1, 1]} : vector<1024x1024xf32> to vector<1024x256xf32>
    %mul3A_133 = arith.constant 5.000000e-01 : f32
    %mul3A_134 = vector.broadcast %mul3A_133 : f32 to vector<1024x256xf32>
    %mul3A_135 = arith.mulf %mul3A_134, %slice3A_132 : vector<1024x256xf32>
    %tanh3A_136 = math.tanh %mul3A_135 : vector<1024x256xf32>
    %mul3A_137 = arith.constant 5.000000e-01 : f32
    %mul3A_138 = vector.broadcast %mul3A_137 : f32 to vector<1024x256xf32>
    %mul3A_139 = arith.mulf %mul3A_138, %tanh3A_136 : vector<1024x256xf32>
    %add3A_140 = arith.constant 5.000000e-01 : f32
    %add3A_141 = vector.broadcast %add3A_140 : f32 to vector<1024x256xf32>
    %add3A_142 = arith.addf %mul3A_139, %add3A_141 : vector<1024x256xf32>
    %slice3A_143 = vector.extract_strided_slice %add3A_131 {offsets = [0, 256], sizes = [1024, 256], strides = [1, 1]} : vector<1024x1024xf32> to vector<1024x256xf32>
    %mul3A_144 = arith.constant 5.000000e-01 : f32
    %mul3A_145 = vector.broadcast %mul3A_144 : f32 to vector<1024x256xf32>
    %mul3A_146 = arith.mulf %mul3A_145, %slice3A_143 : vector<1024x256xf32>
    %tanh3A_147 = math.tanh %mul3A_146 : vector<1024x256xf32>
    %mul3A_148 = arith.constant 5.000000e-01 : f32
    %mul3A_149 = vector.broadcast %mul3A_148 : f32 to vector<1024x256xf32>
    %mul3A_150 = arith.mulf %mul3A_149, %tanh3A_147 : vector<1024x256xf32>
    %add3A_151 = arith.constant 5.000000e-01 : f32
    %add3A_152 = vector.broadcast %add3A_151 : f32 to vector<1024x256xf32>
    %add3A_153 = arith.addf %mul3A_150, %add3A_152 : vector<1024x256xf32>
    %slice3A_154 = vector.extract_strided_slice %add3A_131 {offsets = [0, 512], sizes = [1024, 256], strides = [1, 1]} : vector<1024x1024xf32> to vector<1024x256xf32>
    %tanh3A_155 = math.tanh %slice3A_154 : vector<1024x256xf32>
    %slice3A_156 = vector.extract_strided_slice %add3A_131 {offsets = [0, 768], sizes = [1024, 256], strides = [1, 1]} : vector<1024x1024xf32> to vector<1024x256xf32>
    %mul3A_157 = arith.constant 5.000000e-01 : f32
    %mul3A_158 = vector.broadcast %mul3A_157 : f32 to vector<1024x256xf32>
    %mul3A_159 = arith.mulf %mul3A_158, %slice3A_156 : vector<1024x256xf32>
    %tanh3A_160 = math.tanh %mul3A_159 : vector<1024x256xf32>
    %mul3A_161 = arith.constant 5.000000e-01 : f32
    %mul3A_162 = vector.broadcast %mul3A_161 : f32 to vector<1024x256xf32>
    %mul3A_163 = arith.mulf %mul3A_162, %tanh3A_160 : vector<1024x256xf32>
    %add3A_164 = arith.constant 5.000000e-01 : f32
    %add3A_165 = vector.broadcast %add3A_164 : f32 to vector<1024x256xf32>
    %add3A_166 = arith.addf %mul3A_163, %add3A_165 : vector<1024x256xf32>
    %mul3A_167 = arith.mulf %add3A_153, %get3A_121 : vector<1024x256xf32>
    %mul3A_168 = arith.mulf %add3A_142, %tanh3A_155 : vector<1024x256xf32>
    %add3A_169 = arith.addf %mul3A_167, %mul3A_168 : vector<1024x256xf32>
    %tanh3A_170 = math.tanh %add3A_169 : vector<1024x256xf32>
    %mul3A_171 = arith.mulf %add3A_166, %tanh3A_170 : vector<1024x256xf32>
    %convert_element_type3A_172 = arith.truncf %mul3A_60 : vector<1024x256xf32> to vector<1024x256xbf16>
    %swap3A = arith.constant 0 : index
    %swap3A_173 = arith.constant 0 : index
    %swap3A_174 = vector.load %arg13[%swap3A, %swap3A_173] : memref<1024x256xbf16, #tpu.memory_space<vmem>>, vector<1024x256xbf16>
    tpu.vector_store %arg13[%swap3A, %swap3A_173], %convert_element_type3A_172 {strides = array<i32>} : memref<1024x256xbf16, #tpu.memory_space<vmem>>, vector<1024x256xbf16>,
    %swap3A_175 = arith.constant 0 : index
    %swap3A_176 = arith.constant 0 : index
    %swap3A_177 = vector.load %arg16[%swap3A_175, %swap3A_176] : memref<1024x256xf32, #tpu.memory_space<vmem>>, vector<1024x256xf32>
    tpu.vector_store %arg16[%swap3A_175, %swap3A_176], %add3A_58 {strides = array<i32>} : memref<1024x256xf32, #tpu.memory_space<vmem>>, vector<1024x256xf32>,
    %convert_element_type3A_178 = arith.truncf %mul3A_114 : vector<1024x256xf32> to vector<1024x256xbf16>
    %swap3A_179 = arith.constant 0 : index
    %swap3A_180 = arith.constant 0 : index
    %swap3A_181 = vector.load %arg14[%swap3A_179, %swap3A_180] : memref<1024x256xbf16, #tpu.memory_space<vmem>>, vector<1024x256xbf16>
    tpu.vector_store %arg14[%swap3A_179, %swap3A_180], %convert_element_type3A_178 {strides = array<i32>} : memref<1024x256xbf16, #tpu.memory_space<vmem>>, vector<1024x256xbf16>,
    %swap3A_182 = arith.constant 0 : index
    %swap3A_183 = arith.constant 0 : index
    %swap3A_184 = vector.load %arg17[%swap3A_182, %swap3A_183] : memref<1024x256xf32, #tpu.memory_space<vmem>>, vector<1024x256xf32>
    tpu.vector_store %arg17[%swap3A_182, %swap3A_183], %add3A_112 {strides = array<i32>} : memref<1024x256xf32, #tpu.memory_space<vmem>>, vector<1024x256xf32>,
    %convert_element_type3A_185 = arith.truncf %mul3A_171 : vector<1024x256xf32> to vector<1024x256xbf16>
    %swap3A_186 = arith.constant 0 : index
    %swap3A_187 = arith.constant 0 : index
    %swap3A_188 = vector.load %arg15[%swap3A_186, %swap3A_187] : memref<1024x256xbf16, #tpu.memory_space<vmem>>, vector<1024x256xbf16>
    tpu.vector_store %arg15[%swap3A_186, %swap3A_187], %convert_element_type3A_185 {strides = array<i32>} : memref<1024x256xbf16, #tpu.memory_space<vmem>>, vector<1024x256xbf16>,
    %swap3A_189 = arith.constant 0 : index
    %swap3A_190 = arith.constant 0 : index
    %swap3A_191 = vector.load %arg18[%swap3A_189, %swap3A_190] : memref<1024x256xf32, #tpu.memory_space<vmem>>, vector<1024x256xf32>
    tpu.vector_store %arg18[%swap3A_189, %swap3A_190], %add3A_169 {strides = array<i32>} : memref<1024x256xf32, #tpu.memory_space<vmem>>, vector<1024x256xf32>,
    %eq3A_192 = arith.constant 0 : i32
    %eq3A_193 = arith.cmpi eq, %arg0, %eq3A_192 : i32
    %convert_element_type3A_194 = arith.extui %eq3A_193 : i1 to i32
    %cond3A_195 = arith.constant 0 : i32
    %cond3A_196 = arith.cmpi ne, %convert_element_type3A_194, %cond3A_195 : i32
    scf.if %cond3A_196 {
      %broadcast_in_dim3A = arith.constant 0.000000e+00 : bf16
      %broadcast_in_dim3A_217 = vector.broadcast %broadcast_in_dim3A : bf16 to vector<1024x256xbf16>
      %swap3A_218 = arith.constant 0 : index
      %swap3A_219 = arith.constant 0 : index
      %swap3A_220 = vector.load %arg14[%swap3A_218, %swap3A_219] : memref<1024x256xbf16, #tpu.memory_space<vmem>>, vector<1024x256xbf16>
      tpu.vector_store %arg14[%swap3A_218, %swap3A_219], %broadcast_in_dim3A_217 {strides = array<i32>} : memref<1024x256xbf16, #tpu.memory_space<vmem>>, vector<1024x256xbf16>,
      %broadcast_in_dim3A_221 = arith.constant 0.000000e+00 : bf16
      %broadcast_in_dim3A_222 = vector.broadcast %broadcast_in_dim3A_221 : bf16 to vector<1024x256xbf16>
      %swap3A_223 = arith.constant 0 : index
      %swap3A_224 = arith.constant 0 : index
      %swap3A_225 = vector.load %arg15[%swap3A_223, %swap3A_224] : memref<1024x256xbf16, #tpu.memory_space<vmem>>, vector<1024x256xbf16>
      tpu.vector_store %arg15[%swap3A_223, %swap3A_224], %broadcast_in_dim3A_222 {strides = array<i32>} : memref<1024x256xbf16, #tpu.memory_space<vmem>>, vector<1024x256xbf16>,
      %broadcast_in_dim3A_226 = arith.constant 0.000000e+00 : f32
      %broadcast_in_dim3A_227 = vector.broadcast %broadcast_in_dim3A_226 : f32 to vector<1024x256xf32>
      %swap3A_228 = arith.constant 0 : index
      %swap3A_229 = arith.constant 0 : index
      %swap3A_230 = vector.load %arg17[%swap3A_228, %swap3A_229] : memref<1024x256xf32, #tpu.memory_space<vmem>>, vector<1024x256xf32>
      tpu.vector_store %arg17[%swap3A_228, %swap3A_229], %broadcast_in_dim3A_227 {strides = array<i32>} : memref<1024x256xf32, #tpu.memory_space<vmem>>, vector<1024x256xf32>,
      %broadcast_in_dim3A_231 = arith.constant 0.000000e+00 : f32
      %broadcast_in_dim3A_232 = vector.broadcast %broadcast_in_dim3A_231 : f32 to vector<1024x256xf32>
      %swap3A_233 = arith.constant 0 : index
      %swap3A_234 = arith.constant 0 : index
      %swap3A_235 = vector.load %arg18[%swap3A_233, %swap3A_234] : memref<1024x256xf32, #tpu.memory_space<vmem>>, vector<1024x256xf32>
      tpu.vector_store %arg18[%swap3A_233, %swap3A_234], %broadcast_in_dim3A_232 {strides = array<i32>} : memref<1024x256xf32, #tpu.memory_space<vmem>>, vector<1024x256xf32>,
    } else {
    }
    %eq3A_197 = arith.constant 1 : i32
    %eq3A_198 = arith.cmpi eq, %arg0, %eq3A_197 : i32
    %convert_element_type3A_199 = arith.extui %eq3A_198 : i1 to i32
    %cond3A_200 = arith.constant 0 : i32
    %cond3A_201 = arith.cmpi ne, %convert_element_type3A_199, %cond3A_200 : i32
    scf.if %cond3A_201 {
      %broadcast_in_dim3A = arith.constant 0.000000e+00 : bf16
      %broadcast_in_dim3A_217 = vector.broadcast %broadcast_in_dim3A : bf16 to vector<1024x256xbf16>
      %swap3A_218 = arith.constant 0 : index
      %swap3A_219 = arith.constant 0 : index
      %swap3A_220 = vector.load %arg15[%swap3A_218, %swap3A_219] : memref<1024x256xbf16, #tpu.memory_space<vmem>>, vector<1024x256xbf16>
      tpu.vector_store %arg15[%swap3A_218, %swap3A_219], %broadcast_in_dim3A_217 {strides = array<i32>} : memref<1024x256xbf16, #tpu.memory_space<vmem>>, vector<1024x256xbf16>,
      %broadcast_in_dim3A_221 = arith.constant 0.000000e+00 : f32
      %broadcast_in_dim3A_222 = vector.broadcast %broadcast_in_dim3A_221 : f32 to vector<1024x256xf32>
      %swap3A_223 = arith.constant 0 : index
      %swap3A_224 = arith.constant 0 : index
      %swap3A_225 = vector.load %arg18[%swap3A_223, %swap3A_224] : memref<1024x256xf32, #tpu.memory_space<vmem>>, vector<1024x256xf32>
      tpu.vector_store %arg18[%swap3A_223, %swap3A_224], %broadcast_in_dim3A_222 {strides = array<i32>} : memref<1024x256xf32, #tpu.memory_space<vmem>>, vector<1024x256xf32>,
    } else {
    }
    %eq3A_202 = arith.constant 49 : i32
    %eq3A_203 = arith.cmpi eq, %arg0, %eq3A_202 : i32
    %convert_element_type3A_204 = arith.extui %eq3A_203 : i1 to i32
    %cond3A_205 = arith.constant 0 : i32
    %cond3A_206 = arith.cmpi ne, %convert_element_type3A_204, %cond3A_205 : i32
    scf.if %cond3A_206 {
      %swap3A_217 = arith.constant 0 : index
      %swap3A_218 = arith.constant 0 : index
      %swap3A_219 = arith.constant 0 : index
      %swap3A_220 = vector.load %arg10[%swap3A_217, %swap3A_218, %swap3A_219] : memref<3x1024x256xf32, #tpu.memory_space<vmem>>, vector<1x1024x256xf32>
      %swap3A_221 = vector.shape_cast %swap3A_220 : vector<1x1024x256xf32> to vector<1024x256xf32>
      %swap3A_222 = vector.shape_cast %mul3A_60 : vector<1024x256xf32> to vector<1x1024x256xf32>
      tpu.vector_store %arg10[%swap3A_217, %swap3A_218, %swap3A_219], %swap3A_222 {strides = array<i32>} : memref<3x1024x256xf32, #tpu.memory_space<vmem>>, vector<1x1024x256xf32>,
      %swap3A_223 = arith.constant 0 : index
      %swap3A_224 = arith.constant 0 : index
      %swap3A_225 = arith.constant 0 : index
      %swap3A_226 = vector.load %arg11[%swap3A_223, %swap3A_224, %swap3A_225] : memref<3x1024x256xf32, #tpu.memory_space<vmem>>, vector<1x1024x256xf32>
      %swap3A_227 = vector.shape_cast %swap3A_226 : vector<1x1024x256xf32> to vector<1024x256xf32>
      %swap3A_228 = vector.shape_cast %add3A_58 : vector<1024x256xf32> to vector<1x1024x256xf32>
      tpu.vector_store %arg11[%swap3A_223, %swap3A_224, %swap3A_225], %swap3A_228 {strides = array<i32>} : memref<3x1024x256xf32, #tpu.memory_space<vmem>>, vector<1x1024x256xf32>,
    } else {
    }
    %eq3A_207 = arith.constant 50 : i32
    %eq3A_208 = arith.cmpi eq, %arg0, %eq3A_207 : i32
    %convert_element_type3A_209 = arith.extui %eq3A_208 : i1 to i32
    %cond3A_210 = arith.constant 0 : i32
    %cond3A_211 = arith.cmpi ne, %convert_element_type3A_209, %cond3A_210 : i32
    scf.if %cond3A_211 {
      %swap3A_217 = arith.constant 1 : index
      %swap3A_218 = arith.constant 0 : index
      %swap3A_219 = arith.constant 0 : index
      %swap3A_220 = vector.load %arg10[%swap3A_217, %swap3A_218, %swap3A_219] : memref<3x1024x256xf32, #tpu.memory_space<vmem>>, vector<1x1024x256xf32>
      %swap3A_221 = vector.shape_cast %swap3A_220 : vector<1x1024x256xf32> to vector<1024x256xf32>
      %swap3A_222 = vector.shape_cast %mul3A_114 : vector<1024x256xf32> to vector<1x1024x256xf32>
      tpu.vector_store %arg10[%swap3A_217, %swap3A_218, %swap3A_219], %swap3A_222 {strides = array<i32>} : memref<3x1024x256xf32, #tpu.memory_space<vmem>>, vector<1x1024x256xf32>,
      %swap3A_223 = arith.constant 1 : index
      %swap3A_224 = arith.constant 0 : index
      %swap3A_225 = arith.constant 0 : index
      %swap3A_226 = vector.load %arg11[%swap3A_223, %swap3A_224, %swap3A_225] : memref<3x1024x256xf32, #tpu.memory_space<vmem>>, vector<1x1024x256xf32>
      %swap3A_227 = vector.shape_cast %swap3A_226 : vector<1x1024x256xf32> to vector<1024x256xf32>
      %swap3A_228 = vector.shape_cast %add3A_112 : vector<1024x256xf32> to vector<1x1024x256xf32>
      tpu.vector_store %arg11[%swap3A_223, %swap3A_224, %swap3A_225], %swap3A_228 {strides = array<i32>} : memref<3x1024x256xf32, #tpu.memory_space<vmem>>, vector<1x1024x256xf32>,
    } else {
    }
    %eq3A_212 = arith.constant 51 : i32
    %eq3A_213 = arith.cmpi eq, %arg0, %eq3A_212 : i32
    %convert_element_type3A_214 = arith.extui %eq3A_213 : i1 to i32
    %cond3A_215 = arith.constant 0 : i32
    %cond3A_216 = arith.cmpi ne, %convert_element_type3A_214, %cond3A_215 : i32
    scf.if %cond3A_216 {
      %swap3A_217 = arith.constant 2 : index
      %swap3A_218 = arith.constant 0 : index
      %swap3A_219 = arith.constant 0 : index
      %swap3A_220 = vector.load %arg10[%swap3A_217, %swap3A_218, %swap3A_219] : memref<3x1024x256xf32, #tpu.memory_space<vmem>>, vector<1x1024x256xf32>
      %swap3A_221 = vector.shape_cast %swap3A_220 : vector<1x1024x256xf32> to vector<1024x256xf32>
      %swap3A_222 = vector.shape_cast %mul3A_171 : vector<1024x256xf32> to vector<1x1024x256xf32>
      tpu.vector_store %arg10[%swap3A_217, %swap3A_218, %swap3A_219], %swap3A_222 {strides = array<i32>} : memref<3x1024x256xf32, #tpu.memory_space<vmem>>, vector<1x1024x256xf32>,
      %swap3A_223 = arith.constant 2 : index
      %swap3A_224 = arith.constant 0 : index
      %swap3A_225 = arith.constant 0 : index
      %swap3A_226 = vector.load %arg11[%swap3A_223, %swap3A_224, %swap3A_225] : memref<3x1024x256xf32, #tpu.memory_space<vmem>>, vector<1x1024x256xf32>
      %swap3A_227 = vector.shape_cast %swap3A_226 : vector<1x1024x256xf32> to vector<1024x256xf32>
      %swap3A_228 = vector.shape_cast %add3A_169 : vector<1024x256xf32> to vector<1x1024x256xf32>
      tpu.vector_store %arg11[%swap3A_223, %swap3A_224, %swap3A_225], %swap3A_228 {strides = array<i32>} : memref<3x1024x256xf32, #tpu.memory_space<vmem>>, vector<1x1024x256xf32>,
      %reduce_sum3A = arith.constant dense<0.000000e+00> : vector<1024xf32>
      %reduce_sum3A_229 = vector.multi_reduction <add>, %mul3A_171, %reduce_sum3A [1] : vector<1024x256xf32> to vector<1024xf32>
      %broadcast_in_dim3A = vector.shape_cast %reduce_sum3A_229 : vector<1024xf32> to vector<1024x1xf32>
      %div3A = arith.constant 2.560000e+02 : f32
      %div3A_230 = vector.broadcast %div3A : f32 to vector<1024x1xf32>
      %div3A_231 = arith.divf %broadcast_in_dim3A, %div3A_230 : vector<1024x1xf32>
      %sub3A = vector.broadcast %div3A_231 : vector<1024x1xf32> to vector<1024x256xf32>
      %sub3A_232 = arith.subf %mul3A_171, %sub3A : vector<1024x256xf32>
      %integer_pow3A = arith.mulf %sub3A_232, %sub3A_232 : vector<1024x256xf32>
      %reduce_sum3A_233 = arith.constant dense<0.000000e+00> : vector<1024xf32>
      %reduce_sum3A_234 = vector.multi_reduction <add>, %integer_pow3A, %reduce_sum3A_233 [1] : vector<1024x256xf32> to vector<1024xf32>
      %broadcast_in_dim3A_235 = vector.shape_cast %reduce_sum3A_234 : vector<1024xf32> to vector<1024x1xf32>
      %div3A_236 = arith.constant 2.560000e+02 : f32
      %div3A_237 = vector.broadcast %div3A_236 : f32 to vector<1024x1xf32>
      %div3A_238 = arith.divf %broadcast_in_dim3A_235, %div3A_237 : vector<1024x1xf32>
      %sub3A_239 = vector.broadcast %div3A_231 : vector<1024x1xf32> to vector<1024x256xf32>
      %sub3A_240 = arith.subf %mul3A_171, %sub3A_239 : vector<1024x256xf32>
      %add3A_241 = arith.constant 9.99999974E-6 : f32
      %add3A_242 = vector.broadcast %add3A_241 : f32 to vector<1024x1xf32>
      %add3A_243 = arith.addf %div3A_238, %add3A_242 : vector<1024x1xf32>
      %rsqrt3A = math.rsqrt %add3A_243 : vector<1024x1xf32>
      %mul3A_244 = vector.broadcast %rsqrt3A : vector<1024x1xf32> to vector<1024x256xf32>
      %mul3A_245 = arith.mulf %sub3A_240, %mul3A_244 : vector<1024x256xf32>
      %get3A_246 = arith.constant 0 : index
      %get3A_247 = arith.constant 0 : index
      %get3A_248 = vector.load %arg8[%get3A_246, %get3A_247] : memref<1x256xf32, #tpu.memory_space<vmem>>, vector<1x256xf32>
      %mul3A_249 = vector.broadcast %get3A_248 : vector<1x256xf32> to vector<1024x256xf32>
      %mul3A_250 = arith.mulf %mul3A_245, %mul3A_249 : vector<1024x256xf32>
      %get3A_251 = arith.constant 0 : index
      %get3A_252 = arith.constant 0 : index
      %get3A_253 = vector.load %arg9[%get3A_251, %get3A_252] : memref<1x256xf32, #tpu.memory_space<vmem>>, vector<1x256xf32>
      %add3A_254 = vector.broadcast %get3A_253 : vector<1x256xf32> to vector<1024x256xf32>
      %add3A_255 = arith.addf %mul3A_250, %add3A_254 : vector<1024x256xf32>
      %convert_element_type3A_256 = arith.truncf %add3A_255 : vector<1024x256xf32> to vector<1024x256xbf16>
      %swap3A_257 = arith.constant 0 : index
      %swap3A_258 = arith.constant 0 : index
      %swap3A_259 = vector.load %arg12[%swap3A_257, %swap3A_258] : memref<1024x256xbf16, #tpu.memory_space<vmem>>, vector<1024x256xbf16>
      tpu.vector_store %arg12[%swap3A_257, %swap3A_258], %convert_element_type3A_256 {strides = array<i32>} : memref<1024x256xbf16, #tpu.memory_space<vmem>>, vector<1024x256xbf16>,
    } else {
    }
    return
  }
  func.func @transform_0(%arg0: i32) -> (i32, i32, i32) {
    %min3A = arith.constant 49 : i32
    %min3A_0 = arith.minsi %arg0, %min3A : i32
    %c0_i32 = arith.constant 0 : i32
    %c0_i32_1 = arith.constant 0 : i32
    %c0_i32_2 = arith.constant 0 : i32
    return %min3A_0, %c0_i32, %c0_i32_1 : i32, i32, i32
  }
  func.func @transform_1(%arg0: i32) -> (i32, i32) {
    %c0_i32 = arith.constant 0 : i32
    %c0_i32_0 = arith.constant 0 : i32
    %c0_i32_1 = arith.constant 0 : i32
    return %c0_i32, %c0_i32_0 : i32, i32
  }
  func.func @transform_2(%arg0: i32) -> (i32, i32) {
    %c0_i32 = arith.constant 0 : i32
    %c0_i32_0 = arith.constant 0 : i32
    %c0_i32_1 = arith.constant 0 : i32
    return %c0_i32, %c0_i32_0 : i32, i32
  }
  func.func @transform_3(%arg0: i32) -> (i32, i32) {
    %c0_i32 = arith.constant 0 : i32
    %c0_i32_0 = arith.constant 0 : i32
    %c0_i32_1 = arith.constant 0 : i32
    return %c0_i32, %c0_i32_0 : i32, i32
  }
  func.func @transform_4(%arg0: i32) -> (i32, i32) {
    %c0_i32 = arith.constant 0 : i32
    %c0_i32_0 = arith.constant 0 : i32
    %c0_i32_1 = arith.constant 0 : i32
    return %c0_i32, %c0_i32_0 : i32, i32
  }
  func.func @transform_5(%arg0: i32) -> (i32, i32) {
    %c0_i32 = arith.constant 0 : i32
    %c0_i32_0 = arith.constant 0 : i32
    %c0_i32_1 = arith.constant 0 : i32
    return %c0_i32, %c0_i32_0 : i32, i32
  }
  func.func @transform_6(%arg0: i32) -> (i32, i32) {
    %c0_i32 = arith.constant 0 : i32
    %c0_i32_0 = arith.constant 0 : i32
    %c0_i32_1 = arith.constant 0 : i32
    return %c0_i32, %c0_i32_0 : i32, i32
  }
  func.func @transform_7(%arg0: i32) -> (i32, i32) {
    %c0_i32 = arith.constant 0 : i32
    %c0_i32_0 = arith.constant 0 : i32
    %c0_i32_1 = arith.constant 0 : i32
    return %c0_i32, %c0_i32_0 : i32, i32
  }
  func.func @transform_8(%arg0: i32) -> (i32, i32) {
    %c0_i32 = arith.constant 0 : i32
    %c0_i32_0 = arith.constant 0 : i32
    %c0_i32_1 = arith.constant 0 : i32
    return %c0_i32, %c0_i32_0 : i32, i32
  }
  func.func @transform_9(%arg0: i32) -> (i32, i32, i32) {
    %c0_i32 = arith.constant 0 : i32
    %c0_i32_0 = arith.constant 0 : i32
    %c0_i32_1 = arith.constant 0 : i32
    %c0_i32_2 = arith.constant 0 : i32
    return %c0_i32, %c0_i32_0, %c0_i32_1 : i32, i32, i32
  }
  func.func @transform_10(%arg0: i32) -> (i32, i32, i32) {
    %c0_i32 = arith.constant 0 : i32
    %c0_i32_0 = arith.constant 0 : i32
    %c0_i32_1 = arith.constant 0 : i32
    %c0_i32_2 = arith.constant 0 : i32
    return %c0_i32, %c0_i32_0, %c0_i32_1 : i32, i32, i32
  }
  func.func @transform_11(%arg0: i32) -> (i32, i32) {
    %c0_i32 = arith.constant 0 : i32
    %c0_i32_0 = arith.constant 0 : i32
    %c0_i32_1 = arith.constant 0 : i32
    return %c0_i32, %c0_i32_0 : i32, i32
  }
}

module attributes {stable_mosaic.version = 14 : i64} {
  func.func @body(%arg0: i32, %arg1: memref<1024x256xbf16, #tpu.memory_space<vmem>>, %arg2: memref<2048x256xf32, #tpu.memory_space<vmem>>, %arg3: memref<1x1x2048xf32, #tpu.memory_space<vmem>>, %arg4: memref<2048x1024xf32, #tpu.memory_space<vmem>>) attributes {dimension_semantics = [#tpu.dimension_semantics<arbitrary>], iteration_bounds = array<i64: 49>, scalar_prefetch = 0 : i64, scratch_operands = 0 : i64, tpu.core_type = #tpu.core_type<tc>, window_params = [{pipeline_mode = #tpu.pipeline_mode<synchronous>, transform_indices = @transform_0, window_bounds = array<i64: 1024, 256>}, {transform_indices = @transform_1, window_bounds = array<i64: 2048, 256>}, {transform_indices = @transform_2, window_bounds = array<i64: 1, 1, 2048>}, {transform_indices = @transform_3, window_bounds = array<i64: 2048, 1024>}]} {
    %get3A = arith.constant 0 : index
    %get3A_0 = arith.constant 0 : index
    %get3A_1 = vector.load %arg2[%get3A, %get3A_0] : memref<2048x256xf32, #tpu.memory_space<vmem>>, vector<2048x256xf32>
    %convert_element_type3A = arith.truncf %get3A_1 : vector<2048x256xf32> to vector<2048x256xbf16>
    %get3A_2 = arith.constant 0 : index
    %get3A_3 = arith.constant 0 : index
    %get3A_4 = vector.load %arg1[%get3A_2, %get3A_3] : memref<1024x256xbf16, #tpu.memory_space<vmem>>, vector<1024x256xbf16>
    %dot_general3A = arith.constant dense<0.000000e+00> : vector<2048x1024xf32>
    %dot_general3A_5 = tpu.matmul %convert_element_type3A, %get3A_4, %dot_general3A {dimension_numbers = #tpu.dot_dimension_numbers<[1], [1], [0], [0], [0, 0, 1, 0], [], []>, transpose_lhs_hint = false} : vector<2048x256xbf16>, vector<1024x256xbf16>, vector<2048x1024xf32> -> vector<2048x1024xf32>
    %get3A_6 = arith.constant 0 : index
    %get3A_7 = arith.constant 0 : index
    %get3A_8 = arith.constant 0 : index
    %get3A_9 = vector.load %arg3[%get3A_6, %get3A_7, %get3A_8] : memref<1x1x2048xf32, #tpu.memory_space<vmem>>, vector<1x1x2048xf32>
    %get3A_10 = vector.shape_cast %get3A_9 : vector<1x1x2048xf32> to vector<1x2048xf32>
    %transpose3A = tpu.transpose %get3A_10, [1, 0] : vector<1x2048xf32> -> vector<2048x1xf32>
    %add3A = vector.broadcast %transpose3A : vector<2048x1xf32> to vector<2048x1024xf32>
    %add3A_11 = arith.addf %dot_general3A_5, %add3A : vector<2048x1024xf32>
    %swap3A = arith.constant 0 : index
    %swap3A_12 = arith.constant 0 : index
    %swap3A_13 = vector.load %arg4[%swap3A, %swap3A_12] : memref<2048x1024xf32, #tpu.memory_space<vmem>>, vector<2048x1024xf32>
    tpu.vector_store %arg4[%swap3A, %swap3A_12], %add3A_11 {strides = array<i32>} : memref<2048x1024xf32, #tpu.memory_space<vmem>>, vector<2048x1024xf32>,
    return
  }
  func.func @transform_0(%arg0: i32) -> (i32, i32) {
    %c0_i32 = arith.constant 0 : i32
    %c0_i32_0 = arith.constant 0 : i32
    %c0_i32_1 = arith.constant 0 : i32
    return %c0_i32, %c0_i32_0 : i32, i32
  }
  func.func @transform_1(%arg0: i32) -> (i32, i32) {
    %c0_i32 = arith.constant 0 : i32
    %c0_i32_0 = arith.constant 0 : i32
    return %arg0, %c0_i32 : i32, i32
  }
  func.func @transform_2(%arg0: i32) -> (i32, i32, i32) {
    %c0_i32 = arith.constant 0 : i32
    %c0_i32_0 = arith.constant 0 : i32
    %c0_i32_1 = arith.constant 0 : i32
    return %arg0, %c0_i32, %c0_i32_0 : i32, i32, i32
  }
  func.func @transform_3(%arg0: i32) -> (i32, i32) {
    %c0_i32 = arith.constant 0 : i32
    %c0_i32_0 = arith.constant 0 : i32
    return %arg0, %c0_i32 : i32, i32
  }
}

</mosaic_0001>

<sc_bundles>
// kernel: kernel.5.cloned.1.call-start
scs
__scs_entry_jumppad:
0x0: {  	(pc) =	sbr.rel $0x88, $3  }
0x1: {  	(tag) =	ssettag $0x0;
	lr =	simm.s32 $0x1  }
0x2: {  	[smem:$0x3F8F] =	sst lr;
	_ =	strace $0xD0000000  }
0x3: {  	_ = 	snop  }
0x4: {  	_ = 	snop  }
0x5: {  	_ = 	snop  }
0x6: {  	_ = 	snop  }
0x7: {  	_ = 	snop  }
__scs_overlays_trampoline_lowered:
0x8: {  	[smem:$0x3F9E] =	sst s0  }
0x9: {  	[smem:$0x3F9F] =	sst s1  }
0xa: {  	[smem:$0x3FA0] =	sst s2  }
0xb: {  	[smem:$0x3FA1] =	sst s3  }
0xc: {  	[smem:$0x3FA2] =	sst s4  }
0xd: {  	[smem:$0x3FA3] =	sst s5  }
0xe: {  	[smem:$0x3FA4] =	sst s6  }
0xf: {  	[smem:$0x3FA5] =	sst s7  }
0x10: {  	[smem:$0x3FA6] =	sst s8  }
0x11: {  	[smem:$0x3FA7] =	sst s9;
	s0 =	simm.s32 @!p0 $0x0  }
0x12: {  	s1 =	sld [smem:$0x3F8D];
	s0 =	simm.s32 @p0 $0x1  }
0x13: {  	[smem:$0x3FA8] =	sst s0;
	s0 =	simm.s32 @!p1 $0x0  }
0x14: {  	s2 =	sld [smem:$0x3F8C];
	s0 =	simm.s32 @p1 $0x1  }
0x15: {  	[smem:$0x3FA9] =	sst s0;
	s0 =	simm.s32 @!p2 $0x0  }
0x16: {  	s3 =	sld [smem:$0x3FDB];
	s0 =	simm.s32 @p2 $0x1  }
0x17: {  	s4 =	simm.s32 $0x1BF5;
	[smem:$0x3FAB] =	sst s0  }
0x18: {  	s0 =	sld [smem:$0x3F8E];
	_ =	swait.ge [sflag:s4], $0x0  }
0x19: {  	s7 =	sld [smem:$0x3F8F]  }
0x1a: {  	s8 =	sadd.s32 $0xFFFFE003, lr  }
0x1b: {  	s9 =	sadd.s32 $0xFFFFFEF7, lr;
	s5 =	simm.s32 $0xFFFFFFFF;
	p2 =	slt.u32 s8, $0xFFFFF086  }
0x1c: {  	p1 =	slt.u32 s9, $0xF7A;
	s5 =	simm.s32 @!p2 $0x0  }
0x1d: {  	s5 =	simm.s32 @p1 $0x1;
	p0 =	seq.s32 s7, s2  }
0x1e: {  	s7 =	smul.u32 @!p0 $0xF7A, s2;
	p2 =	seq.s32 @!p0 s5, $0x0  }
0x1f: {  	s9 =	smul.u32 $0xF7A, s1;
	s8 =	simm.s32 @!p0 $0x1BF5;
	p2 =	por !p2, p0  }
0x20: {  	[sflag:s8] =	ssyncset.s32 @!p0 $0xFFFFF086;
	s6 =	sadd.s32 @!p0 s3, s7;
	s7 =	simm.s32 @!p0 $0x108  }
0x21: {  	s3 =	sadd.s32 s3, s9;
	s6 =	sadd.s32 @!p0 $0x88, s6;
	s7 =	simm.s32 @p2 $0x1082  }
0x22: {  	[simem:s7], [sflag:s8] =	dma.local @!p0 [hbm:s6], $0xF7A  }
0x23: {  	s9 =	sor.u32 $0xD0000000, s2;
	s6 =	simm.s32 $0x108;
	_ =	swait.ge @!p0 [sflag:s8], $0x0  }
0x24: {  	s3 =	sadd.s32 $0x88, s3;
	s6 =	simm.s32 @!p1 $0x1082;
	[sflag:s4] =	ssyncset.s32 $0xFFFFF086  }
0x25: {  	[simem:s6], [sflag:s4] =	dma.local [hbm:s3], $0xF7A  }
0x26: {  	[smem:$0x3F8F] =	sst s1;
	(tag) =	ssettag s2;
	_ =	strace s9  }
0x27: {  	s1 =	sld [smem:$0x3F9F]  }
0x28: {  	s2 =	sld [smem:$0x3FA0]  }
0x29: {  	s4 =	sld [smem:$0x3FA2]  }
0x2a: {  	p0 =	seq.s32 s5, $0x0;
	s5 =	sld [smem:$0x3FA3]  }
0x2b: {  	s6 =	sld [smem:$0x3FA4]  }
0x2c: {  	s7 =	sld [smem:$0x3FA5]  }
0x2d: {  	s3 =	simm.s32 $0x108;
	s8 =	sld [smem:$0x3FA6]  }
0x2e: {  	s3 =	simm.s32 @!p0 $0x1082;
	s9 =	sld [smem:$0x3FA7]  }
0x2f: {  	lr =	sadd.s32 s0, s3;
	s0 =	sld [smem:$0x3F9E]  }
0x30: {  	s3 =	sld [smem:$0x3FA1]  }
0x31: {  	[smem:$0x3FAA] =	sst s10  }
0x32: {  	s10 =	sld [smem:$0x3FA8];
	_ =	sdelay $0x3  }
0x33: {  	p0 =	seq.s32 s10, $0x1;
	s10 =	sld [smem:$0x3FAA];
	_ =	sdelay $0x3  }
0x34: {  	[smem:$0x3FAA] =	sst s10  }
0x35: {  	s10 =	sld [smem:$0x3FA9];
	_ =	sdelay $0x3  }
0x36: {  	p1 =	seq.s32 s10, $0x1;
	s10 =	sld [smem:$0x3FAA];
	_ =	sdelay $0x3  }
0x37: {  	[smem:$0x3FAA] =	sst s10  }
0x38: {  	s10 =	sld [smem:$0x3FAB]  }
0x39: {  	_ = 	snop;
	(pc) =	sbr.ind lr, $3  }
0x3a: {  	_ = 	snop  }
0x3b: {  	_ = 	snop  }
0x3c: {  	p2 =	seq.s32 s10, $0x1;
	s10 =	sld [smem:$0x3FAA]  }
0x3d: {  	_ =	shalt  }
0x3e: {  	_ =	shalt  }
0x3f: {  	_ =	shalt  }
0x40: {  	_ =	shalt  }
0x41: {  	_ =	shalt  }
0x42: {  	_ =	shalt  }
0x43: {  	_ =	shalt  }
0x44: {  	_ =	shalt  }
0x45: {  	_ =	shalt  }
0x46: {  	_ =	shalt  }
0x47: {  	_ =	shalt  }
0x48: {  	_ =	shalt  }
0x49: {  	_ =	shalt  }
0x4a: {  	_ =	shalt  }
0x4b: {  	_ =	shalt  }
0x4c: {  	_ =	shalt  }
0x4d: {  	_ =	shalt  }
0x4e: {  	_ =	shalt  }
0x4f: {  	_ =	shalt  }
0x50: {  	_ =	shalt  }
0x51: {  	_ =	shalt  }
0x52: {  	_ =	shalt  }
0x53: {  	_ =	shalt  }
0x54: {  	_ =	shalt  }
0x55: {  	_ =	shalt  }
0x56: {  	_ =	shalt  }
0x57: {  	_ =	shalt  }
0x58: {  	_ =	shalt  }
0x59: {  	_ =	shalt  }
0x5a: {  	_ =	shalt  }
0x5b: {  	_ =	shalt  }
0x5c: {  	_ =	shalt  }
0x5d: {  	_ =	shalt  }
0x5e: {  	_ =	shalt  }
0x5f: {  	_ =	shalt  }
0x60: {  	_ =	shalt  }
0x61: {  	_ =	shalt  }
0x62: {  	_ =	shalt  }
0x63: {  	_ =	shalt  }
0x64: {  	_ =	shalt  }
0x65: {  	_ =	shalt  }
0x66: {  	_ =	shalt  }
0x67: {  	_ =	shalt  }
0x68: {  	_ =	shalt  }
0x69: {  	_ =	shalt  }
0x6a: {  	_ =	shalt  }
0x6b: {  	_ =	shalt  }
0x6c: {  	_ =	shalt  }
0x6d: {  	_ =	shalt  }
0x6e: {  	_ =	shalt  }
0x6f: {  	_ =	shalt  }
0x70: {  	_ =	shalt  }
0x71: {  	_ =	shalt  }
0x72: {  	_ =	shalt  }
0x73: {  	_ =	shalt  }
0x74: {  	_ =	shalt  }
0x75: {  	_ =	shalt  }
0x76: {  	_ =	shalt  }
0x77: {  	_ =	shalt  }
0x78: {  	_ =	shalt  }
0x79: {  	_ =	shalt  }
0x7a: {  	_ =	shalt  }
0x7b: {  	_ =	shalt  }
0x7c: {  	_ =	shalt  }
0x7d: {  	_ =	shalt  }
0x7e: {  	_ =	shalt  }
0x7f: {  	_ =	shalt  }
0x80: {  	_ =	shalt  }
0x81: {  	_ =	shalt  }
0x82: {  	_ =	shalt  }
0x83: {  	_ =	shalt  }
0x84: {  	_ =	shalt  }
0x85: {  	_ =	shalt  }
0x86: {  	_ =	shalt  }
0x87: {  	_ =	shalt  }
.Lfunc_end0:
.L_simem_size_0:
called_computation_lowered:
.L_overlay_start_0:
0x88: {  	s2 =	sld [smem:$0x3FD9]  }
0x89: {  	s3 =	sld [smem:$0x3FFE];
	_ =	sdelay $0x1  }
0x8a: {  	s1 =	srdreg.scid  }
0x8b: {  	s0 =	sand.u32 $0x1, s1  }
0x8c: {  	s15 =	sshll.u32 s0, $0xA;
	s2 =	sadd.s32 s3, s2  }
0x8d: {  	s2 =	sadd.s32 s2, s15  }
0x8e: {  	[smem:$0x3FB6] =	sst s2  }
0x8f: {  	_ = 	snop  }
0x90: {  	s2 =	sld [smem:$0x3FD0];
	_ =	sdelay $0x2  }
0x91: {  	s4 =	simm.s32 $0xA;
	s5 =	simm.s32 $0x10;
	s16 =	sld [smem:$0x3FC8]  }
0x92: {  	[smem:s5], [sflag:s4] =	dma.local [hbm:s2], $0x1  }
0x93: {  	_ =	swait.eq [sflag:s4], $0x1  }
0x94: {  	[sflag:s4] =	ssyncset.done $0x0  }
0x95: {  	s17 =	sld [smem:$0x10];
	[sflag:s4] =	ssyncadd.s32 $0xFFFFFFFF  }
0x96: {  	s18 =	sld [smem:$0x12];
	(tm) =	ssettm $0x1  }
0x97: {  	s19 =	sld [smem:$0x3FFB];
	_ =	sdelay $0x3  }
0x98: {  	_ =	strace s19  }
0x99: {  	s5 =	sld [smem:$0x3FFC];
	_ =	sdelay $0x3  }
0x9a: {  	_ =	strace s5  }
0x9b: {  	s5 =	sld [smem:$0x3FFD];
	_ =	sdelay $0x3  }
0x9c: {  	_ =	strace s5  }
0x9d: {  	_ =	strace $0x8FFFFFFF  }
0x9e: {  	s20 =	sld [smem:$0x3FDB];
	_ =	sdelay $0x1  }
0x9f: {  	s6 =	simm.s32 $_scs_section_size  }
0xa0: {  	s7 =	simm.s32 $_size__tile_overlayer_lowered;
	s8 =	simm.s32 $_tile_overlayer_lowered  }
0xa1: {  	s23 =	simm.s32 $0x1BFF;
	s22 =	sshll.u32 s8, $0x1;
	s5 =	sadd.s32 s6, s20  }
0xa2: {  	s9 =	simm.s32 $0x0;
	s21 =	sshll.u32 s7, $0x1;
	s7 =	sadd.s32 s22, s5  }
0xa3: {  	[timem:s9], [sflag:s23] =	dma.local [hbm:s7], s21  }
0xa4: {  	_ =	swait.ge [sflag:s23], s21  }
0xa5: {  	s6 =	ssub.s32 $0x0, s21;
	[sflag:s23] =	ssyncset.done $0x0  }
0xa6: {  	[sflag:s23] =	ssyncadd.s32 s6;
	_ =	sdelay $0x1  }
0xa7: {  	s24 =	simm.s32 $0x1B8B  }
0xa8: {  	_ =	swait.ge [sflag:s24], $0x1  }
0xa9: {  	[sflag:s24] =	ssyncset.done $0x0  }
0xaa: {  	s25 =	simm.s32 $0x1B8E;
	[sflag:s24] =	ssyncadd.s32 $0xFFFFFFFF  }
0xab: {  	s26 =	simm.s32 $execute0_lowered;
	[smem:$0x3FD2] =	sst s25  }
0xac: {  	s6 =	sshll.u32 s26, $0x1;
	_ =	strace $0x80000046;
	[dreg:$0x1] =	wrdreg $0xFFFFFFFF  }
0xad: {  	s28 =	simm.s32 $_size_execute0_lowered;
	s5 =	sadd.s32 s5, s6;
	[dreg:$0x0] =	wrdreg $0x0  }
0xae: {  	s6 =	sshll.u32 s28, $0x1;
	[dreg:$0x2] =	wrdreg s5  }
0xaf: {  	[dreg:$0x3] =	wrdreg s6  }
0xb0: {  	[dreg:$0x4] =	wrdreg $0xC0  }
0xb1: {  	_ =	task [dreg:s9], $0x5FFFF  }
0xb2: {  	[dreg:$0x1] =	wrdreg $0xFFFFFFFF  }
0xb3: {  	[dreg:$0x0] =	wrdreg $0x60  }
0xb4: {  	[dreg:$0x2] =	wrdreg s16  }
0xb5: {  	[dreg:$0x3] =	wrdreg s18  }
0xb6: {  	[dreg:$0x4] =	wrdreg s17  }
0xb7: {  	[dreg:$0x5] =	wrdreg $0x9  }
0xb8: {  	_ =	task.clear_ibuf [dreg:s9], $0x6FFFF;
	_ =	strace $0x90000046  }
0xb9: {  	s29 =	simm.s32 $0x9;
	_ =	strace $0x80000048  }
0xba: {  	_ =	swait.ge [sflag:s29], $0x1  }
0xbb: {  	[sflag:s29] =	ssyncadd.s32 $0xFFFFFFFF  }
0xbc: {  	_ =	strace $0x90000048  }
0xbd: {  	_ =	sfence  }
0xbe: {  	s30 =	sld [smem:$0x0];
	_ =	sdelay $0x2  }
0xbf: {  	s31 =	sshll.u32 s1, $0xD;
	s1 =	sshrl.u32 s1, $0x2  }
0xc0: {  	s3 =	sand.u32 $0x4000, s31;
	s1 =	sadd.s32 s1, s30  }
0xc1: {  	s0 =	sor.u32 s3, s0;
	s1 =	sshll.u32 s1, $0x11  }
0xc2: {  	s0 =	sor.u32 s1, s0  }
0xc3: {  	s0 =	sadd.s32 $0x8F2B, s0  }
0xc4: {  	[sflag:s0] =	ssyncadd.remote.s32 $0x1  }
0xc5: {  	_ =	sfence.sel $0xFFFF  }
0xc6: {  	[dreg:$0x0] =	wrdreg $0xFFFFFFFF;
	(pc) =	sbr.abs _section_cstart, $3  }
0xc7: {  	[dreg:$0x1] =	wrdreg $0xFFFFFFFF  }
0xc8: {  	_ =	task.clear_ibuf [dreg:s9], $0x2FFFF;
	_ =	strace $0x9FFFFFFF  }
0xc9: {  	(tm) =	ssettm $0x7FFFFFFF  }
tec
execute0_lowered:
.L_overlay_start_1:
0x0: {  	(tag) =	ssettag $0x1  }
0x1: {  	s1 =	srdreg.scid;
	s0 =	stileid.u32  }
0x2: {  	s2 =	rddreg [dreg:$0x0];
	s16 =	sand.u32 $0x1, s1;
	s30 =	sshll.u32 s0, $0x1  }
0x3: {  	s14 =	rddreg [dreg:$0x1];
	s9 =	sor.u32 s16, s30  }
0x4: {  	s15 =	rddreg [dreg:$0x2];
	s17 =	smul.u32 $0x640, s9  }
0x5: {  	s3 =	simm.s32 $0x0;
	s1 =	rddreg [dreg:$0x3]  }
0x6: {  	[smem:$0x7FF] =	sst s3;
	s4 =	sshrl.u32 s17, $0x3  }
0x7: {  	_ =	strace $0x80000047;
	s5 =	sadd.s32 s14, s4;
	s4 =	simm.s32 $0x2  }
0x8: {  	[tilespmem:s3], [sflag:$0x2] =	stream.linear.gather [hbm4b:s5+s3], $0x190, $0x38;
	[tilespmem:$0xCA00] =	vst v63  }
0x9: {  	_ =	swait.ge [sflag:s4], $0x190  }
0xa: {  	s6 =	simm.s32 $0x190;
	[sflag:s4] =	ssyncset.done $0x0  }
0xb: {  	s7 =	simm.s32 $0x200;
	s8 =	simm.s32 $0x1;
	[sflag:s4] =	ssyncadd.s32 $0xFFFFFE70  }
0xc: {  	[tilespmem:s7], [sflag:$0x1] =	stream.indirect.gather [hbm4b:s2+s6], $0x80, s3, s6, $0xb8;
	[tilespmem:$0xCA00] =	vst v63  }
0xd: {  	s9 =	smul.u32 $0x6400, s9;
	_ =	swait.ge [sflag:s8], $0xC800  }
0xe: {  	[sflag:s8] =	ssyncset.done $0x0  }
0xf: {  	s9 =	sadd.s32 s15, s9;
	[sflag:s8] =	ssyncadd.s32 $0xFFFF3800  }
0x10: {  	[hbm4b:s9+s3] =	stream.linear.scatter [tilespmem:s7], [sflag:$0x2], $0xC800, $0x38;
	[tilespmem:$0xCA00] =	vst v63  }
0x11: {  	s11 =	sadd.s32 $0x190, s17;
	_ =	swait.ge [sflag:s4], $0xC800  }
0x12: {  	s10 =	sshrl.u32 s11, $0x3;
	[sflag:s4] =	ssyncset.done $0x0  }
0x13: {  	s10 =	sadd.s32 s14, s10;
	[sflag:s4] =	ssyncadd.s32 $0xFFFF3800  }
0x14: {  	[tilespmem:s3], [sflag:$0x2] =	stream.linear.gather [hbm4b:s10+s3], $0x190, $0x38;
	[tilespmem:$0xCA00] =	vst v63  }
0x15: {  	_ =	swait.ge [sflag:s4], $0x190  }
0x16: {  	[sflag:s4] =	ssyncset.done $0x0  }
0x17: {  	[sflag:s4] =	ssyncadd.s32 $0xFFFFFE70  }
0x18: {  	[tilespmem:s7], [sflag:$0x1] =	stream.indirect.gather [hbm4b:s2+s6], $0x80, s3, s6, $0xb8;
	[tilespmem:$0xCA00] =	vst v63  }
0x19: {  	_ =	swait.ge [sflag:s8], $0xC800  }
0x1a: {  	s11 =	sshll.u32 s11, $0x4;
	[sflag:s8] =	ssyncset.done $0x0  }
0x1b: {  	s11 =	sadd.s32 s15, s11;
	[sflag:s8] =	ssyncadd.s32 $0xFFFF3800  }
0x1c: {  	[hbm4b:s11+s3] =	stream.linear.scatter [tilespmem:s7], [sflag:$0x2], $0xC800, $0x38;
	[tilespmem:$0xCA00] =	vst v63  }
0x1d: {  	s13 =	sadd.s32 $0x320, s17;
	_ =	swait.ge [sflag:s4], $0xC800  }
0x1e: {  	s12 =	sshrl.u32 s13, $0x3;
	[sflag:s4] =	ssyncset.done $0x0  }
0x1f: {  	s12 =	sadd.s32 s14, s12;
	[sflag:s4] =	ssyncadd.s32 $0xFFFF3800  }
0x20: {  	[tilespmem:s3], [sflag:$0x2] =	stream.linear.gather [hbm4b:s12+s3], $0x190, $0x38;
	[tilespmem:$0xCA00] =	vst v63  }
0x21: {  	_ =	swait.ge [sflag:s4], $0x190  }
0x22: {  	[sflag:s4] =	ssyncset.done $0x0  }
0x23: {  	[sflag:s4] =	ssyncadd.s32 $0xFFFFFE70  }
0x24: {  	[tilespmem:s7], [sflag:$0x1] =	stream.indirect.gather [hbm4b:s2+s6], $0x80, s3, s6, $0xb8;
	[tilespmem:$0xCA00] =	vst v63  }
0x25: {  	_ =	swait.ge [sflag:s8], $0xC800  }
0x26: {  	s13 =	sshll.u32 s13, $0x4;
	[sflag:s8] =	ssyncset.done $0x0  }
0x27: {  	s13 =	sadd.s32 s15, s13;
	[sflag:s8] =	ssyncadd.s32 $0xFFFF3800  }
0x28: {  	[hbm4b:s13+s3] =	stream.linear.scatter [tilespmem:s7], [sflag:$0x2], $0xC800, $0x38;
	[tilespmem:$0xCA00] =	vst v63  }
0x29: {  	s17 =	sadd.s32 $0x4B0, s17;
	_ =	swait.ge [sflag:s4], $0xC800  }
0x2a: {  	s18 =	sshrl.u32 s17, $0x3;
	[sflag:s4] =	ssyncset.done $0x0  }
0x2b: {  	s16 =	ssub.s32 $0x2, s16;
	s14 =	sadd.s32 s14, s18;
	[sflag:s4] =	ssyncadd.s32 $0xFFFF3800  }
0x2c: {  	[tilespmem:s3], [sflag:$0x2] =	stream.linear.gather [hbm4b:s14+s3], $0x190, $0x38;
	[tilespmem:$0xCA00] =	vst v63  }
0x2d: {  	s31 =	sshrl.u32 s16, $0x1;
	_ =	swait.ge [sflag:s4], $0x190  }
0x2e: {  	s16 =	ssub.s32 s16, s31;
	[sflag:s4] =	ssyncset.done $0x0  }
0x2f: {  	s16 =	smax.u32 s16, $0x1;
	[sflag:s4] =	ssyncadd.s32 $0xFFFFFE70  }
0x30: {  	[tilespmem:s7], [sflag:$0x1] =	stream.indirect.gather [hbm4b:s2+s6], $0x80, s3, s6, $0xb8;
	[tilespmem:$0xCA00] =	vst v63  }
0x31: {  	p0 =	sne.s32 s16, $0x1;
	_ =	swait.ge [sflag:s8], $0xC800  }
.Ltmp0:
0x32: {  	s17 =	sshll.u32 s17, $0x4;
	[sflag:s8] =	ssyncset.done $0x0;
	(pc) =	sbr.rel @!p0 .LBB2_2-.Ltmp0, $4  }
0x33: {  	s15 =	sadd.s32 s15, s17;
	[sflag:s8] =	ssyncadd.s32 $0xFFFF3800  }
0x34: {  	[hbm4b:s15+s3] =	stream.linear.scatter [tilespmem:s7], [sflag:$0x2], $0xC800, $0x38;
	[tilespmem:$0xCA00] =	vst v63  }
0x35: {  	_ =	swait.ge [sflag:s4], $0xC800  }
0x36: {  	s16 =	sadd.s32 $0xFFFFFFFF, s16;
	[sflag:s4] =	ssyncset.done $0x0  }
.LBB2_1:
0x37: {  	p0 =	sne.s32 s16, $0x1;
	s16 =	sadd.s32 $0xFFFFFFFF, s16;
	[sflag:s4] =	ssyncadd.s32 $0xFFFF3800  }
0x38: {  	[tilespmem:s3], [sflag:$0x2] =	stream.linear.gather [hbm4b:s5+s3], $0x190, $0x38;
	[tilespmem:$0xCA00] =	vst v63  }
0x39: {  	_ =	swait.ge [sflag:s4], $0x190  }
0x3a: {  	[sflag:s4] =	ssyncset.done $0x0  }
0x3b: {  	[sflag:s4] =	ssyncadd.s32 $0xFFFFFE70  }
0x3c: {  	[tilespmem:s7], [sflag:$0x1] =	stream.indirect.gather [hbm4b:s2+s6], $0x80, s3, s6, $0xb8;
	[tilespmem:$0xCA00] =	vst v63  }
0x3d: {  	_ =	swait.ge [sflag:s8], $0xC800  }
0x3e: {  	[sflag:s8] =	ssyncset.done $0x0  }
0x3f: {  	[sflag:s8] =	ssyncadd.s32 $0xFFFF3800  }
0x40: {  	[hbm4b:s9+s3] =	stream.linear.scatter [tilespmem:s7], [sflag:$0x2], $0xC800, $0x38;
	[tilespmem:$0xCA00] =	vst v63  }
0x41: {  	_ =	swait.ge [sflag:s4], $0xC800  }
0x42: {  	[sflag:s4] =	ssyncset.done $0x0  }
0x43: {  	[sflag:s4] =	ssyncadd.s32 $0xFFFF3800  }
0x44: {  	[tilespmem:s3], [sflag:$0x2] =	stream.linear.gather [hbm4b:s10+s3], $0x190, $0x38;
	[tilespmem:$0xCA00] =	vst v63  }
0x45: {  	_ =	swait.ge [sflag:s4], $0x190  }
0x46: {  	[sflag:s4] =	ssyncset.done $0x0  }
0x47: {  	[sflag:s4] =	ssyncadd.s32 $0xFFFFFE70  }
0x48: {  	[tilespmem:s7], [sflag:$0x1] =	stream.indirect.gather [hbm4b:s2+s6], $0x80, s3, s6, $0xb8;
	[tilespmem:$0xCA00] =	vst v63  }
0x49: {  	_ =	swait.ge [sflag:s8], $0xC800  }
0x4a: {  	[sflag:s8] =	ssyncset.done $0x0  }
0x4b: {  	[sflag:s8] =	ssyncadd.s32 $0xFFFF3800  }
0x4c: {  	[hbm4b:s11+s3] =	stream.linear.scatter [tilespmem:s7], [sflag:$0x2], $0xC800, $0x38;
	[tilespmem:$0xCA00] =	vst v63  }
0x4d: {  	_ =	swait.ge [sflag:s4], $0xC800  }
0x4e: {  	[sflag:s4] =	ssyncset.done $0x0  }
0x4f: {  	[sflag:s4] =	ssyncadd.s32 $0xFFFF3800  }
0x50: {  	[tilespmem:s3], [sflag:$0x2] =	stream.linear.gather [hbm4b:s12+s3], $0x190, $0x38;
	[tilespmem:$0xCA00] =	vst v63  }
0x51: {  	_ =	swait.ge [sflag:s4], $0x190  }
0x52: {  	[sflag:s4] =	ssyncset.done $0x0  }
0x53: {  	[sflag:s4] =	ssyncadd.s32 $0xFFFFFE70  }
0x54: {  	[tilespmem:s7], [sflag:$0x1] =	stream.indirect.gather [hbm4b:s2+s6], $0x80, s3, s6, $0xb8;
	[tilespmem:$0xCA00] =	vst v63  }
0x55: {  	_ =	swait.ge [sflag:s8], $0xC800  }
0x56: {  	[sflag:s8] =	ssyncset.done $0x0  }
0x57: {  	[sflag:s8] =	ssyncadd.s32 $0xFFFF3800  }
0x58: {  	[hbm4b:s13+s3] =	stream.linear.scatter [tilespmem:s7], [sflag:$0x2], $0xC800, $0x38;
	[tilespmem:$0xCA00] =	vst v63  }
0x59: {  	_ =	swait.ge [sflag:s4], $0xC800  }
0x5a: {  	[sflag:s4] =	ssyncset.done $0x0  }
0x5b: {  	[sflag:s4] =	ssyncadd.s32 $0xFFFF3800  }
0x5c: {  	[tilespmem:s3], [sflag:$0x2] =	stream.linear.gather [hbm4b:s14+s3], $0x190, $0x38;
	[tilespmem:$0xCA00] =	vst v63  }
0x5d: {  	_ =	swait.ge [sflag:s4], $0x190  }
0x5e: {  	[sflag:s4] =	ssyncset.done $0x0  }
0x5f: {  	[sflag:s4] =	ssyncadd.s32 $0xFFFFFE70  }
0x60: {  	[tilespmem:s7], [sflag:$0x1] =	stream.indirect.gather [hbm4b:s2+s6], $0x80, s3, s6, $0xb8;
	[tilespmem:$0xCA00] =	vst v63  }
0x61: {  	_ =	swait.ge [sflag:s8], $0xC800  }
.Ltmp1:
0x62: {  	[sflag:s8] =	ssyncset.done $0x0;
	(pc) =	sbr.rel @p0 .LBB2_1-.Ltmp1, $4  }
0x63: {  	[sflag:s8] =	ssyncadd.s32 $0xFFFF3800  }
0x64: {  	[hbm4b:s15+s3] =	stream.linear.scatter [tilespmem:s7], [sflag:$0x2], $0xC800, $0x38;
	[tilespmem:$0xCA00] =	vst v63  }
0x65: {  	_ =	swait.ge [sflag:s4], $0xC800  }
0x66: {  	[sflag:s4] =	ssyncset.done $0x0  }
.LBB2_2:
0x67: {  	[sflag:s4] =	ssyncadd.s32 $0xFFFF3800  }
0x68: {  	_ =	sfence.sel $0x180000  }
0x69: {  	[bflag:$0x0] =	sbarrier.arrive $0xFFFF  }
0x6a: {  	p0 =	sne.s32 s0, $0x0;
	_ =	strace $0x90000047  }
0x6b: {  	s0 =	sadd.s32 @!p0 $0x100000, s1;
	[bflag:$0x2] =	sbarrier.arrive $0xFFFF  }
0x6c: {  	[sflag:s0] =	ssyncadd.tile.s32 @!p0 $0x1;
	_ =	shalt  }
.Lfunc_end2:
_tile_overlayer_lowered:
.L_overlay_start_2:
0x6d: {  	(tag) =	ssettag $0x2  }
0x6e: {  	s0 =	rddreg [dreg:$0x0];
	s2 =	stileid.u32  }
0x6f: {  	s1 =	rddreg [dreg:$0x1];
	p0 =	sne.s32 s2, $0x0  }
0x70: {  	s3 =	rddreg [dreg:$0x2];
	[bflag:$0x3] =	sbarrier.arrive $0xFFFF;
	s2 =	simm.s32 @!p0 $0x1C02  }
0x71: {  	[timem:s3], [sflag:s2] =	dma.local @!p0 [hbm:s0], s1  }
0x72: {  	s0 =	simm.s32 @!p0 $0x2  }
0x73: {  	_ =	swait.ge @!p0 [sflag:s0], s1  }
0x74: {  	s1 =	ssub.s32 @!p0 $0x0, s1;
	[sflag:s0] =	ssyncset.done @!p0 $0x0  }
0x75: {  	[sflag:s0] =	ssyncadd.s32 @!p0 s1  }
0x76: {  	[bflag:$0x3] =	sbarrier.arrive $0xFFFF  }
0x77: {  	_ =	shalt  }

</sc_bundles>
